<compile_context>
chip_gen: v7x
topology: tpu7x:2x2x1
jax: 0.10.2.dev20260603
libtpu: 0.0.44.dev20260713+nightly
codegen_flags: <defaults>
</compile_context>

<pallas_src>
import functools

import jax
import jax.numpy as jnp
from jax import lax
from jax.experimental import pallas as pl
from jax.experimental.pallas import tpu as pltpu
from jax.experimental.pallas import tpu_sc as plsc

VOCAB = 1000000
DIM = 32
BATCH = 16384
HIST = 50

NC = 2
NS = 16
NW = NC * NS
BW = BATCH // NW
C = 16
NCHUNK = BW // C
NPAIR = NCHUNK // 2
ROWS = C * HIST


def _make_kernel():
  mesh = plsc.VectorSubcoreMesh(core_axis_name="c", subcore_axis_name="s")

  @functools.partial(
      pl.kernel,
      mesh=mesh,
      out_type=jax.ShapeDtypeStruct((BATCH, DIM), jnp.float32),
      scratch_types=[
          pltpu.VMEM((BW, HIST), jnp.int32),
          pltpu.VMEM((ROWS, DIM), jnp.float32),
          pltpu.VMEM((ROWS, DIM), jnp.float32),
          pltpu.VMEM((C, DIM), jnp.float32),
          pltpu.SemaphoreType.DMA,
          pltpu.SemaphoreType.DMA,
      ],
      compiler_params=pltpu.CompilerParams(use_tc_tiling_on_sc=False),
  )
  def emb_bag(table_hbm, idx_hbm, out_hbm, idx_v, rows_a, rows_b, out_v,
              sem_a, sem_b):
    wid = lax.axis_index("s") * NC + lax.axis_index("c")
    scale = jnp.float32(1.0 / HIST)

    pltpu.sync_copy(idx_hbm.at[pl.ds(wid * BW, BW)], idx_v)

    def fire(c, rows_v, sem):
      def body(b, _):
        pltpu.async_copy(
            table_hbm.at[idx_v.at[c * C + b]],
            rows_v.at[pl.ds(b * HIST, HIST)],
            sem,
        )
        return 0

      lax.fori_loop(0, C, body, 0)

    def drain(rows_v, sem):
      pltpu.make_async_copy(table_hbm.at[pl.ds(0, ROWS)], rows_v, sem).wait()

    def reduce_store(c, rows_v):
      def bag_body(b, _):
        base = b * HIST
        a0 = [rows_v[base + k, pl.ds(0, 16)] for k in range(4)]
        a1 = [rows_v[base + k, pl.ds(16, 16)] for k in range(4)]
        for l in range(4, HIST):
          a0[l % 4] = a0[l % 4] + rows_v[base + l, pl.ds(0, 16)]
          a1[l % 4] = a1[l % 4] + rows_v[base + l, pl.ds(16, 16)]
        out_v[b, pl.ds(0, 16)] = ((a0[0] + a0[1]) + (a0[2] + a0[3])) * scale
        out_v[b, pl.ds(16, 16)] = ((a1[0] + a1[1]) + (a1[2] + a1[3])) * scale
        return 0

      lax.fori_loop(0, C, bag_body, 0)
      pltpu.sync_copy(out_v, out_hbm.at[pl.ds(wid * BW + c * C, C)])

    fire(0, rows_a, sem_a)

    def pair_body(p, _):
      c0 = 2 * p
      fire(c0 + 1, rows_b, sem_b)
      drain(rows_a, sem_a)
      reduce_store(c0, rows_a)

      @pl.when(p < NPAIR - 1)
      def _():
        fire(c0 + 2, rows_a, sem_a)

      drain(rows_b, sem_b)
      reduce_store(c0 + 1, rows_b)
      return 0

    lax.fori_loop(0, NPAIR, pair_body, 0)

  return emb_bag


_emb_bag = _make_kernel()


@jax.jit
def kernel(indices, table):
  return _emb_bag(table, indices.astype(jnp.int32))

# --- scband reference (transcript-rebuilt; emitter-appended) ---
"""Pipeline reference for scband-tpuembedding-89008902242312 (READ-ONLY COPY).

The authoritative reference and input builder live on the scoring server;
editing this copy changes nothing except your own understanding.
"""

import jax, jax.numpy as jnp
import numpy as np

VOCAB = 1000000
DIM = 32
BATCH = 16384
HIST = 50


def setup_inputs(seed: int = 0) -> dict:
    key = jax.random.key(seed)
    k1, k2 = jax.random.split(key)
    indices = jax.random.randint(k1, (BATCH, HIST), 0, VOCAB, dtype=jnp.int64 if jax.config.jax_enable_x64 else jnp.int32)
    # learned embedding table sized per init_kwargs (vocabulary_size x embedding_dim)
    table = jax.random.normal(k2, (VOCAB, DIM), dtype=jnp.float32) * 0.02
    return {"indices": indices, "table": table}


def reference(indices, table):
    # TPUEmbedding lookup: gather rows of the table for each id, then apply
    # the 'mean' combiner over the sequence/bag dimension (hist_len), which
    # is what TableConfig(combiner='mean') computes for multivalent features.
    emb = jnp.take(table, indices, axis=0)  # [B, L, D]
    out = jnp.mean(emb, axis=1)             # [B, D]
    return out

if __name__ == "__main__":
    import jax
    _d = setup_inputs()
    print(jax.jit(kernel)(*tuple(_d.values())))

</pallas_src>

<mosaic_0001>
#map = affine_map<(d0, d1) -> (0, 0)>
module attributes {stable_mosaic.version = 14 : i64} {
  func.func @emb_bag(%arg0: i32, %arg1: i32, %arg2: memref<1000000x32xf32, #tpu.memory_space<hbm>>, %arg3: memref<16384x50xi32, #tpu.memory_space<hbm>>, %arg4: memref<16384x32xf32, #tpu.memory_space<hbm>>, %arg5: memref<512x50xi32, #tpu.memory_space<vmem>>, %arg6: memref<800x32xf32, #tpu.memory_space<vmem>>, %arg7: memref<800x32xf32, #tpu.memory_space<vmem>>, %arg8: memref<16x32xf32, #tpu.memory_space<vmem>>, %arg9: memref<!tpu.dma_semaphore, #tpu.memory_space<semaphore_mem>>, %arg10: memref<!tpu.dma_semaphore, #tpu.memory_space<semaphore_mem>>) attributes {dimension_semantics = [#tpu.dimension_semantics<core_parallel>, #tpu.dimension_semantics<subcore_parallel>], iteration_bounds = array<i64: 2, 16>, scalar_prefetch = 0 : i64, scratch_operands = 6 : i64, tpu.core_type = #tpu.core_type<sc_vector_subcore>, window_params = [{transform_indices = #map}, {transform_indices = #map}, {transform_indices = #map}]} {
    %mul3A = arith.constant 2 : i32
    %mul3A_0 = arith.muli %arg1, %mul3A : i32
    %add3A = arith.addi %mul3A_0, %arg0 : i32
    %mul3A_1 = arith.constant 512 : i32
    %mul3A_2 = arith.muli %add3A, %mul3A_1 : i32
    "tpu.region"() ({
      %run_scoped3A = tpu.sem_alloc : memref<!tpu.dma_semaphore, #tpu.memory_space<semaphore_mem>>
      %dma_start3A = arith.constant 0 : i32
      %dma_start3A_17 = tpu.memref_slice %arg3[%mul3A_2, %dma_start3A] : memref<16384x50xi32, #tpu.memory_space<hbm>> -> memref<512x50xi32, #tpu.memory_space<hbm>>
      %dma_start3A_18 = arith.constant 0 : i32
      %dma_start3A_19 = tpu.memref_slice %arg3[%mul3A_2, %dma_start3A_18] : memref<16384x50xi32, #tpu.memory_space<hbm>> -> memref<512x50xi32, #tpu.memory_space<hbm>>
      tpu.enqueue_dma source(%dma_start3A_19 : memref<512x50xi32, #tpu.memory_space<hbm>>) target(%arg5 : memref<512x50xi32, #tpu.memory_space<vmem>>) target_semaphore(%run_scoped3A : memref<!tpu.dma_semaphore, #tpu.memory_space<semaphore_mem>>)
      %dma_wait3A = arith.constant 0 : i32
      %dma_wait3A_20 = tpu.memref_slice %arg3[%mul3A_2, %dma_wait3A] : memref<16384x50xi32, #tpu.memory_space<hbm>> -> memref<512x50xi32, #tpu.memory_space<hbm>>
      %dma_wait3A_21 = arith.constant 0 : i32
      %dma_wait3A_22 = tpu.memref_slice %arg3[%mul3A_2, %dma_wait3A_21] : memref<16384x50xi32, #tpu.memory_space<hbm>> -> memref<512x50xi32, #tpu.memory_space<hbm>>
      tpu.wait_dma2 semaphore(%run_scoped3A : memref<!tpu.dma_semaphore, #tpu.memory_space<semaphore_mem>>) src(%dma_wait3A_22 : memref<512x50xi32, #tpu.memory_space<hbm>>) dst(%arg5 : memref<512x50xi32, #tpu.memory_space<vmem>>)
      tpu.yield
    }) : () -> ()
    %scan3A = arith.constant 0 : i32
    %scan3A_3 = arith.constant 0 : i32
    %scan3A_4 = arith.constant 16 : i32
    %scan3A_5 = arith.addi %scan3A_3, %scan3A_4 : i32
    %scan3A_6 = arith.constant 1 : i32
    %scan3A_7 = scf.for %scan3A_17 = %scan3A_3 to %scan3A_5 step %scan3A_6 iter_args(%scan3A_18 = %scan3A) -> (i32)  : i32 {
      %add3A_19 = arith.constant 0 : i32
      %add3A_20 = arith.addi %add3A_19, %scan3A_17 : i32
      %mul3A_21 = arith.constant 50 : i32
      %mul3A_22 = arith.muli %scan3A_17, %mul3A_21 : i32
      %dma_start3A = arith.constant 0 : i32
      %dma_start3A_23 = tpu.memref_slice %arg6[%mul3A_22, %dma_start3A] : memref<800x32xf32, #tpu.memory_space<vmem>> -> memref<50x32xf32, #tpu.memory_space<vmem>>
      %dma_start3A_24 = arith.constant 0 : i32
      %dma_start3A_25 = tpu.memref_slice %arg5[%add3A_20, %dma_start3A_24] : memref<512x50xi32, #tpu.memory_space<vmem>> -> memref<1x50xi32, #tpu.memory_space<vmem>>
      %dma_start3A_26 = tpu.memref_squeeze %dma_start3A_25 : memref<1x50xi32, #tpu.memory_space<vmem>> -> memref<50xi32, #tpu.memory_space<vmem>>
      %dma_start3A_27 = arith.constant 0 : i32
      %dma_start3A_28 = arith.constant 0 : i32
      %dma_start3A_29 = tpu.memref_slice %arg2[%dma_start3A_27, %dma_start3A_28] : memref<1000000x32xf32, #tpu.memory_space<hbm>> -> memref<1000000x32xf32, #tpu.memory_space<hbm>>
      tpu.enqueue_indirect_dma source(%dma_start3A_29 : memref<1000000x32xf32, #tpu.memory_space<hbm>>) target(%dma_start3A_23 : memref<50x32xf32, #tpu.memory_space<vmem>>) offsets(%dma_start3A_26 : memref<50xi32, #tpu.memory_space<vmem>>) semaphore(%arg9 : memref<!tpu.dma_semaphore, #tpu.memory_space<semaphore_mem>>)
      %scan3A_30 = arith.constant 0 : i32
      scf.yield %scan3A_30 : i32
    }
    %scan3A_8 = arith.constant 16 : i32
    %scan3A_9 = arith.constant 2.000000e-02 : f32
    %scan3A_10 = arith.constant 0 : i32
    %scan3A_11 = arith.constant 0 : i32
    %scan3A_12 = arith.constant 16 : i32
    %scan3A_13 = arith.addi %scan3A_11, %scan3A_12 : i32
    %scan3A_14 = arith.constant 1 : i32
    %scan3A_15 = scf.for %scan3A_17 = %scan3A_11 to %scan3A_13 step %scan3A_14 iter_args(%scan3A_18 = %scan3A_10) -> (i32)  : i32 {
      %mul3A_19 = arith.constant 2 : i32
      %mul3A_20 = arith.muli %mul3A_19, %scan3A_17 : i32
      %add3A_21 = arith.constant 1 : i32
      %add3A_22 = arith.addi %mul3A_20, %add3A_21 : i32
      %scan3A_23 = arith.constant 0 : i32
      %scan3A_24 = arith.constant 0 : i32
      %scan3A_25 = arith.constant 16 : i32
      %scan3A_26 = arith.addi %scan3A_24, %scan3A_25 : i32
      %scan3A_27 = arith.constant 1 : i32
      %scan3A_28 = scf.for %scan3A_70 = %scan3A_24 to %scan3A_26 step %scan3A_27 iter_args(%scan3A_71 = %scan3A_23) -> (i32)  : i32 {
        %mul3A_72 = arith.constant 16 : i32
        %mul3A_73 = arith.muli %add3A_22, %mul3A_72 : i32
        %add3A_74 = arith.addi %mul3A_73, %scan3A_70 : i32
        %mul3A_75 = arith.constant 50 : i32
        %mul3A_76 = arith.muli %scan3A_70, %mul3A_75 : i32
        %dma_start3A = arith.constant 0 : i32
        %dma_start3A_77 = tpu.memref_slice %arg7[%mul3A_76, %dma_start3A] : memref<800x32xf32, #tpu.memory_space<vmem>> -> memref<50x32xf32, #tpu.memory_space<vmem>>
        %dma_start3A_78 = arith.constant 0 : i32
        %dma_start3A_79 = tpu.memref_slice %arg5[%add3A_74, %dma_start3A_78] : memref<512x50xi32, #tpu.memory_space<vmem>> -> memref<1x50xi32, #tpu.memory_space<vmem>>
        %dma_start3A_80 = tpu.memref_squeeze %dma_start3A_79 : memref<1x50xi32, #tpu.memory_space<vmem>> -> memref<50xi32, #tpu.memory_space<vmem>>
        %dma_start3A_81 = arith.constant 0 : i32
        %dma_start3A_82 = arith.constant 0 : i32
        %dma_start3A_83 = tpu.memref_slice %arg2[%dma_start3A_81, %dma_start3A_82] : memref<1000000x32xf32, #tpu.memory_space<hbm>> -> memref<1000000x32xf32, #tpu.memory_space<hbm>>
        tpu.enqueue_indirect_dma source(%dma_start3A_83 : memref<1000000x32xf32, #tpu.memory_space<hbm>>) target(%dma_start3A_77 : memref<50x32xf32, #tpu.memory_space<vmem>>) offsets(%dma_start3A_80 : memref<50xi32, #tpu.memory_space<vmem>>) semaphore(%arg10 : memref<!tpu.dma_semaphore, #tpu.memory_space<semaphore_mem>>)
        %scan3A_84 = arith.constant 0 : i32
        scf.yield %scan3A_84 : i32
      }
      %scan3A_29 = arith.constant 16 : i32
      %dma_wait3A = arith.constant 0 : i32
      %dma_wait3A_30 = arith.constant 0 : i32
      %dma_wait3A_31 = tpu.memref_slice %arg2[%dma_wait3A, %dma_wait3A_30] : memref<1000000x32xf32, #tpu.memory_space<hbm>> -> memref<800x32xf32, #tpu.memory_space<hbm>>
      %dma_wait3A_32 = arith.constant 0 : i32
      %dma_wait3A_33 = arith.constant 0 : i32
      %dma_wait3A_34 = tpu.memref_slice %arg2[%dma_wait3A_32, %dma_wait3A_33] : memref<1000000x32xf32, #tpu.memory_space<hbm>> -> memref<800x32xf32, #tpu.memory_space<hbm>>
      tpu.wait_dma2 semaphore(%arg9 : memref<!tpu.dma_semaphore, #tpu.memory_space<semaphore_mem>>) src(%dma_wait3A_34 : memref<800x32xf32, #tpu.memory_space<hbm>>) dst(%arg6 : memref<800x32xf32, #tpu.memory_space<vmem>>)
      %scan3A_35 = arith.constant 0 : i32
      %scan3A_36 = arith.constant 0 : i32
      %scan3A_37 = arith.constant 16 : i32
      %scan3A_38 = arith.addi %scan3A_36, %scan3A_37 : i32
      %scan3A_39 = arith.constant 1 : i32
      %scan3A_40 = scf.for %scan3A_70 = %scan3A_36 to %scan3A_38 step %scan3A_39 iter_args(%scan3A_71 = %scan3A_35) -> (i32)  : i32 {
        %mul3A_72 = arith.constant 50 : i32
        %mul3A_73 = arith.muli %scan3A_70, %mul3A_72 : i32
        %add3A_74 = arith.constant 0 : i32
        %add3A_75 = arith.addi %mul3A_73, %add3A_74 : i32
        %get3A = arith.index_cast %add3A_75 : i32 to index
        %get3A_76 = arith.constant 0 : index
        %get3A_77 = tpu.vector_load %arg6[%get3A, %get3A_76] {strides = array<i32>} : memref<800x32xf32, #tpu.memory_space<vmem>>, vector<1x16xf32>,
        %get3A_78 = vector.shape_cast %get3A_77 : vector<1x16xf32> to vector<16xf32>
        %add3A_79 = arith.constant 1 : i32
        %add3A_80 = arith.addi %mul3A_73, %add3A_79 : i32
        %get3A_81 = arith.index_cast %add3A_80 : i32 to index
        %get3A_82 = arith.constant 0 : index
        %get3A_83 = tpu.vector_load %arg6[%get3A_81, %get3A_82] {strides = array<i32>} : memref<800x32xf32, #tpu.memory_space<vmem>>, vector<1x16xf32>,
        %get3A_84 = vector.shape_cast %get3A_83 : vector<1x16xf32> to vector<16xf32>
        %add3A_85 = arith.constant 2 : i32
        %add3A_86 = arith.addi %mul3A_73, %add3A_85 : i32
        %get3A_87 = arith.index_cast %add3A_86 : i32 to index
        %get3A_88 = arith.constant 0 : index
        %get3A_89 = tpu.vector_load %arg6[%get3A_87, %get3A_88] {strides = array<i32>} : memref<800x32xf32, #tpu.memory_space<vmem>>, vector<1x16xf32>,
        %get3A_90 = vector.shape_cast %get3A_89 : vector<1x16xf32> to vector<16xf32>
        %add3A_91 = arith.constant 3 : i32
        %add3A_92 = arith.addi %mul3A_73, %add3A_91 : i32
        %get3A_93 = arith.index_cast %add3A_92 : i32 to index
        %get3A_94 = arith.constant 0 : index
        %get3A_95 = tpu.vector_load %arg6[%get3A_93, %get3A_94] {strides = array<i32>} : memref<800x32xf32, #tpu.memory_space<vmem>>, vector<1x16xf32>,
        %get3A_96 = vector.shape_cast %get3A_95 : vector<1x16xf32> to vector<16xf32>
        %add3A_97 = arith.constant 0 : i32
        %add3A_98 = arith.addi %mul3A_73, %add3A_97 : i32
        %get3A_99 = arith.index_cast %add3A_98 : i32 to index
        %get3A_100 = arith.constant 16 : index
        %get3A_101 = tpu.vector_load %arg6[%get3A_99, %get3A_100] {strides = array<i32>} : memref<800x32xf32, #tpu.memory_space<vmem>>, vector<1x16xf32>,
        %get3A_102 = vector.shape_cast %get3A_101 : vector<1x16xf32> to vector<16xf32>
        %add3A_103 = arith.constant 1 : i32
        %add3A_104 = arith.addi %mul3A_73, %add3A_103 : i32
        %get3A_105 = arith.index_cast %add3A_104 : i32 to index
        %get3A_106 = arith.constant 16 : index
        %get3A_107 = tpu.vector_load %arg6[%get3A_105, %get3A_106] {strides = array<i32>} : memref<800x32xf32, #tpu.memory_space<vmem>>, vector<1x16xf32>,
        %get3A_108 = vector.shape_cast %get3A_107 : vector<1x16xf32> to vector<16xf32>
        %add3A_109 = arith.constant 2 : i32
        %add3A_110 = arith.addi %mul3A_73, %add3A_109 : i32
        %get3A_111 = arith.index_cast %add3A_110 : i32 to index
        %get3A_112 = arith.constant 16 : index
        %get3A_113 = tpu.vector_load %arg6[%get3A_111, %get3A_112] {strides = array<i32>} : memref<800x32xf32, #tpu.memory_space<vmem>>, vector<1x16xf32>,
        %get3A_114 = vector.shape_cast %get3A_113 : vector<1x16xf32> to vector<16xf32>
        %add3A_115 = arith.constant 3 : i32
        %add3A_116 = arith.addi %mul3A_73, %add3A_115 : i32
        %get3A_117 = arith.index_cast %add3A_116 : i32 to index
        %get3A_118 = arith.constant 16 : index
        %get3A_119 = tpu.vector_load %arg6[%get3A_117, %get3A_118] {strides = array<i32>} : memref<800x32xf32, #tpu.memory_space<vmem>>, vector<1x16xf32>,
        %get3A_120 = vector.shape_cast %get3A_119 : vector<1x16xf32> to vector<16xf32>
        %add3A_121 = arith.constant 4 : i32
        %add3A_122 = arith.addi %mul3A_73, %add3A_121 : i32
        %get3A_123 = arith.index_cast %add3A_122 : i32 to index
        %get3A_124 = arith.constant 0 : index
        %get3A_125 = tpu.vector_load %arg6[%get3A_123, %get3A_124] {strides = array<i32>} : memref<800x32xf32, #tpu.memory_space<vmem>>, vector<1x16xf32>,
        %get3A_126 = vector.shape_cast %get3A_125 : vector<1x16xf32> to vector<16xf32>
        %add3A_127 = arith.addf %get3A_78, %get3A_126 : vector<16xf32>
        %add3A_128 = arith.constant 4 : i32
        %add3A_129 = arith.addi %mul3A_73, %add3A_128 : i32
        %get3A_130 = arith.index_cast %add3A_129 : i32 to index
        %get3A_131 = arith.constant 16 : index
        %get3A_132 = tpu.vector_load %arg6[%get3A_130, %get3A_131] {strides = array<i32>} : memref<800x32xf32, #tpu.memory_space<vmem>>, vector<1x16xf32>,
        %get3A_133 = vector.shape_cast %get3A_132 : vector<1x16xf32> to vector<16xf32>
        %add3A_134 = arith.addf %get3A_102, %get3A_133 : vector<16xf32>
        %add3A_135 = arith.constant 5 : i32
        %add3A_136 = arith.addi %mul3A_73, %add3A_135 : i32
        %get3A_137 = arith.index_cast %add3A_136 : i32 to index
        %get3A_138 = arith.constant 0 : index
        %get3A_139 = tpu.vector_load %arg6[%get3A_137, %get3A_138] {strides = array<i32>} : memref<800x32xf32, #tpu.memory_space<vmem>>, vector<1x16xf32>,
        %get3A_140 = vector.shape_cast %get3A_139 : vector<1x16xf32> to vector<16xf32>
        %add3A_141 = arith.addf %get3A_84, %get3A_140 : vector<16xf32>
        %add3A_142 = arith.constant 5 : i32
        %add3A_143 = arith.addi %mul3A_73, %add3A_142 : i32
        %get3A_144 = arith.index_cast %add3A_143 : i32 to index
        %get3A_145 = arith.constant 16 : index
        %get3A_146 = tpu.vector_load %arg6[%get3A_144, %get3A_145] {strides = array<i32>} : memref<800x32xf32, #tpu.memory_space<vmem>>, vector<1x16xf32>,
        %get3A_147 = vector.shape_cast %get3A_146 : vector<1x16xf32> to vector<16xf32>
        %add3A_148 = arith.addf %get3A_108, %get3A_147 : vector<16xf32>
        %add3A_149 = arith.constant 6 : i32
        %add3A_150 = arith.addi %mul3A_73, %add3A_149 : i32
        %get3A_151 = arith.index_cast %add3A_150 : i32 to index
        %get3A_152 = arith.constant 0 : index
        %get3A_153 = tpu.vector_load %arg6[%get3A_151, %get3A_152] {strides = array<i32>} : memref<800x32xf32, #tpu.memory_space<vmem>>, vector<1x16xf32>,
        %get3A_154 = vector.shape_cast %get3A_153 : vector<1x16xf32> to vector<16xf32>
        %add3A_155 = arith.addf %get3A_90, %get3A_154 : vector<16xf32>
        %add3A_156 = arith.constant 6 : i32
        %add3A_157 = arith.addi %mul3A_73, %add3A_156 : i32
        %get3A_158 = arith.index_cast %add3A_157 : i32 to index
        %get3A_159 = arith.constant 16 : index
        %get3A_160 = tpu.vector_load %arg6[%get3A_158, %get3A_159] {strides = array<i32>} : memref<800x32xf32, #tpu.memory_space<vmem>>, vector<1x16xf32>,
        %get3A_161 = vector.shape_cast %get3A_160 : vector<1x16xf32> to vector<16xf32>
        %add3A_162 = arith.addf %get3A_114, %get3A_161 : vector<16xf32>
        %add3A_163 = arith.constant 7 : i32
        %add3A_164 = arith.addi %mul3A_73, %add3A_163 : i32
        %get3A_165 = arith.index_cast %add3A_164 : i32 to index
        %get3A_166 = arith.constant 0 : index
        %get3A_167 = tpu.vector_load %arg6[%get3A_165, %get3A_166] {strides = array<i32>} : memref<800x32xf32, #tpu.memory_space<vmem>>, vector<1x16xf32>,
        %get3A_168 = vector.shape_cast %get3A_167 : vector<1x16xf32> to vector<16xf32>
        %add3A_169 = arith.addf %get3A_96, %get3A_168 : vector<16xf32>
        %add3A_170 = arith.constant 7 : i32
        %add3A_171 = arith.addi %mul3A_73, %add3A_170 : i32
        %get3A_172 = arith.index_cast %add3A_171 : i32 to index
        %get3A_173 = arith.constant 16 : index
        %get3A_174 = tpu.vector_load %arg6[%get3A_172, %get3A_173] {strides = array<i32>} : memref<800x32xf32, #tpu.memory_space<vmem>>, vector<1x16xf32>,
        %get3A_175 = vector.shape_cast %get3A_174 : vector<1x16xf32> to vector<16xf32>
        %add3A_176 = arith.addf %get3A_120, %get3A_175 : vector<16xf32>
        %add3A_177 = arith.constant 8 : i32
        %add3A_178 = arith.addi %mul3A_73, %add3A_177 : i32
        %get3A_179 = arith.index_cast %add3A_178 : i32 to index
        %get3A_180 = arith.constant 0 : index
        %get3A_181 = tpu.vector_load %arg6[%get3A_179, %get3A_180] {strides = array<i32>} : memref<800x32xf32, #tpu.memory_space<vmem>>, vector<1x16xf32>,
        %get3A_182 = vector.shape_cast %get3A_181 : vector<1x16xf32> to vector<16xf32>
        %add3A_183 = arith.addf %add3A_127, %get3A_182 : vector<16xf32>
        %add3A_184 = arith.constant 8 : i32
        %add3A_185 = arith.addi %mul3A_73, %add3A_184 : i32
        %get3A_186 = arith.index_cast %add3A_185 : i32 to index
        %get3A_187 = arith.constant 16 : index
        %get3A_188 = tpu.vector_load %arg6[%get3A_186, %get3A_187] {strides = array<i32>} : memref<800x32xf32, #tpu.memory_space<vmem>>, vector<1x16xf32>,
        %get3A_189 = vector.shape_cast %get3A_188 : vector<1x16xf32> to vector<16xf32>
        %add3A_190 = arith.addf %add3A_134, %get3A_189 : vector<16xf32>
        %add3A_191 = arith.constant 9 : i32
        %add3A_192 = arith.addi %mul3A_73, %add3A_191 : i32
        %get3A_193 = arith.index_cast %add3A_192 : i32 to index
        %get3A_194 = arith.constant 0 : index
        %get3A_195 = tpu.vector_load %arg6[%get3A_193, %get3A_194] {strides = array<i32>} : memref<800x32xf32, #tpu.memory_space<vmem>>, vector<1x16xf32>,
        %get3A_196 = vector.shape_cast %get3A_195 : vector<1x16xf32> to vector<16xf32>
        %add3A_197 = arith.addf %add3A_141, %get3A_196 : vector<16xf32>
        %add3A_198 = arith.constant 9 : i32
        %add3A_199 = arith.addi %mul3A_73, %add3A_198 : i32
        %get3A_200 = arith.index_cast %add3A_199 : i32 to index
        %get3A_201 = arith.constant 16 : index
        %get3A_202 = tpu.vector_load %arg6[%get3A_200, %get3A_201] {strides = array<i32>} : memref<800x32xf32, #tpu.memory_space<vmem>>, vector<1x16xf32>,
        %get3A_203 = vector.shape_cast %get3A_202 : vector<1x16xf32> to vector<16xf32>
        %add3A_204 = arith.addf %add3A_148, %get3A_203 : vector<16xf32>
        %add3A_205 = arith.constant 10 : i32
        %add3A_206 = arith.addi %mul3A_73, %add3A_205 : i32
        %get3A_207 = arith.index_cast %add3A_206 : i32 to index
        %get3A_208 = arith.constant 0 : index
        %get3A_209 = tpu.vector_load %arg6[%get3A_207, %get3A_208] {strides = array<i32>} : memref<800x32xf32, #tpu.memory_space<vmem>>, vector<1x16xf32>,
        %get3A_210 = vector.shape_cast %get3A_209 : vector<1x16xf32> to vector<16xf32>
        %add3A_211 = arith.addf %add3A_155, %get3A_210 : vector<16xf32>
        %add3A_212 = arith.constant 10 : i32
        %add3A_213 = arith.addi %mul3A_73, %add3A_212 : i32
        %get3A_214 = arith.index_cast %add3A_213 : i32 to index
        %get3A_215 = arith.constant 16 : index
        %get3A_216 = tpu.vector_load %arg6[%get3A_214, %get3A_215] {strides = array<i32>} : memref<800x32xf32, #tpu.memory_space<vmem>>, vector<1x16xf32>,
        %get3A_217 = vector.shape_cast %get3A_216 : vector<1x16xf32> to vector<16xf32>
        %add3A_218 = arith.addf %add3A_162, %get3A_217 : vector<16xf32>
        %add3A_219 = arith.constant 11 : i32
        %add3A_220 = arith.addi %mul3A_73, %add3A_219 : i32
        %get3A_221 = arith.index_cast %add3A_220 : i32 to index
        %get3A_222 = arith.constant 0 : index
        %get3A_223 = tpu.vector_load %arg6[%get3A_221, %get3A_222] {strides = array<i32>} : memref<800x32xf32, #tpu.memory_space<vmem>>, vector<1x16xf32>,
        %get3A_224 = vector.shape_cast %get3A_223 : vector<1x16xf32> to vector<16xf32>
        %add3A_225 = arith.addf %add3A_169, %get3A_224 : vector<16xf32>
        %add3A_226 = arith.constant 11 : i32
        %add3A_227 = arith.addi %mul3A_73, %add3A_226 : i32
        %get3A_228 = arith.index_cast %add3A_227 : i32 to index
        %get3A_229 = arith.constant 16 : index
        %get3A_230 = tpu.vector_load %arg6[%get3A_228, %get3A_229] {strides = array<i32>} : memref<800x32xf32, #tpu.memory_space<vmem>>, vector<1x16xf32>,
        %get3A_231 = vector.shape_cast %get3A_230 : vector<1x16xf32> to vector<16xf32>
        %add3A_232 = arith.addf %add3A_176, %get3A_231 : vector<16xf32>
        %add3A_233 = arith.constant 12 : i32
        %add3A_234 = arith.addi %mul3A_73, %add3A_233 : i32
        %get3A_235 = arith.index_cast %add3A_234 : i32 to index
        %get3A_236 = arith.constant 0 : index
        %get3A_237 = tpu.vector_load %arg6[%get3A_235, %get3A_236] {strides = array<i32>} : memref<800x32xf32, #tpu.memory_space<vmem>>, vector<1x16xf32>,
        %get3A_238 = vector.shape_cast %get3A_237 : vector<1x16xf32> to vector<16xf32>
        %add3A_239 = arith.addf %add3A_183, %get3A_238 : vector<16xf32>
        %add3A_240 = arith.constant 12 : i32
        %add3A_241 = arith.addi %mul3A_73, %add3A_240 : i32
        %get3A_242 = arith.index_cast %add3A_241 : i32 to index
        %get3A_243 = arith.constant 16 : index
        %get3A_244 = tpu.vector_load %arg6[%get3A_242, %get3A_243] {strides = array<i32>} : memref<800x32xf32, #tpu.memory_space<vmem>>, vector<1x16xf32>,
        %get3A_245 = vector.shape_cast %get3A_244 : vector<1x16xf32> to vector<16xf32>
        %add3A_246 = arith.addf %add3A_190, %get3A_245 : vector<16xf32>
        %add3A_247 = arith.constant 13 : i32
        %add3A_248 = arith.addi %mul3A_73, %add3A_247 : i32
        %get3A_249 = arith.index_cast %add3A_248 : i32 to index
        %get3A_250 = arith.constant 0 : index
        %get3A_251 = tpu.vector_load %arg6[%get3A_249, %get3A_250] {strides = array<i32>} : memref<800x32xf32, #tpu.memory_space<vmem>>, vector<1x16xf32>,
        %get3A_252 = vector.shape_cast %get3A_251 : vector<1x16xf32> to vector<16xf32>
        %add3A_253 = arith.addf %add3A_197, %get3A_252 : vector<16xf32>
        %add3A_254 = arith.constant 13 : i32
        %add3A_255 = arith.addi %mul3A_73, %add3A_254 : i32
        %get3A_256 = arith.index_cast %add3A_255 : i32 to index
        %get3A_257 = arith.constant 16 : index
        %get3A_258 = tpu.vector_load %arg6[%get3A_256, %get3A_257] {strides = array<i32>} : memref<800x32xf32, #tpu.memory_space<vmem>>, vector<1x16xf32>,
        %get3A_259 = vector.shape_cast %get3A_258 : vector<1x16xf32> to vector<16xf32>
        %add3A_260 = arith.addf %add3A_204, %get3A_259 : vector<16xf32>
        %add3A_261 = arith.constant 14 : i32
        %add3A_262 = arith.addi %mul3A_73, %add3A_261 : i32
        %get3A_263 = arith.index_cast %add3A_262 : i32 to index
        %get3A_264 = arith.constant 0 : index
        %get3A_265 = tpu.vector_load %arg6[%get3A_263, %get3A_264] {strides = array<i32>} : memref<800x32xf32, #tpu.memory_space<vmem>>, vector<1x16xf32>,
        %get3A_266 = vector.shape_cast %get3A_265 : vector<1x16xf32> to vector<16xf32>
        %add3A_267 = arith.addf %add3A_211, %get3A_266 : vector<16xf32>
        %add3A_268 = arith.constant 14 : i32
        %add3A_269 = arith.addi %mul3A_73, %add3A_268 : i32
        %get3A_270 = arith.index_cast %add3A_269 : i32 to index
        %get3A_271 = arith.constant 16 : index
        %get3A_272 = tpu.vector_load %arg6[%get3A_270, %get3A_271] {strides = array<i32>} : memref<800x32xf32, #tpu.memory_space<vmem>>, vector<1x16xf32>,
        %get3A_273 = vector.shape_cast %get3A_272 : vector<1x16xf32> to vector<16xf32>
        %add3A_274 = arith.addf %add3A_218, %get3A_273 : vector<16xf32>
        %add3A_275 = arith.constant 15 : i32
        %add3A_276 = arith.addi %mul3A_73, %add3A_275 : i32
        %get3A_277 = arith.index_cast %add3A_276 : i32 to index
        %get3A_278 = arith.constant 0 : index
        %get3A_279 = tpu.vector_load %arg6[%get3A_277, %get3A_278] {strides = array<i32>} : memref<800x32xf32, #tpu.memory_space<vmem>>, vector<1x16xf32>,
        %get3A_280 = vector.shape_cast %get3A_279 : vector<1x16xf32> to vector<16xf32>
        %add3A_281 = arith.addf %add3A_225, %get3A_280 : vector<16xf32>
        %add3A_282 = arith.constant 15 : i32
        %add3A_283 = arith.addi %mul3A_73, %add3A_282 : i32
        %get3A_284 = arith.index_cast %add3A_283 : i32 to index
        %get3A_285 = arith.constant 16 : index
        %get3A_286 = tpu.vector_load %arg6[%get3A_284, %get3A_285] {strides = array<i32>} : memref<800x32xf32, #tpu.memory_space<vmem>>, vector<1x16xf32>,
        %get3A_287 = vector.shape_cast %get3A_286 : vector<1x16xf32> to vector<16xf32>
        %add3A_288 = arith.addf %add3A_232, %get3A_287 : vector<16xf32>
        %add3A_289 = arith.constant 16 : i32
        %add3A_290 = arith.addi %mul3A_73, %add3A_289 : i32
        %get3A_291 = arith.index_cast %add3A_290 : i32 to index
        %get3A_292 = arith.constant 0 : index
        %get3A_293 = tpu.vector_load %arg6[%get3A_291, %get3A_292] {strides = array<i32>} : memref<800x32xf32, #tpu.memory_space<vmem>>, vector<1x16xf32>,
        %get3A_294 = vector.shape_cast %get3A_293 : vector<1x16xf32> to vector<16xf32>
        %add3A_295 = arith.addf %add3A_239, %get3A_294 : vector<16xf32>
        %add3A_296 = arith.constant 16 : i32
        %add3A_297 = arith.addi %mul3A_73, %add3A_296 : i32
        %get3A_298 = arith.index_cast %add3A_297 : i32 to index
        %get3A_299 = arith.constant 16 : index
        %get3A_300 = tpu.vector_load %arg6[%get3A_298, %get3A_299] {strides = array<i32>} : memref<800x32xf32, #tpu.memory_space<vmem>>, vector<1x16xf32>,
        %get3A_301 = vector.shape_cast %get3A_300 : vector<1x16xf32> to vector<16xf32>
        %add3A_302 = arith.addf %add3A_246, %get3A_301 : vector<16xf32>
        %add3A_303 = arith.constant 17 : i32
        %add3A_304 = arith.addi %mul3A_73, %add3A_303 : i32
        %get3A_305 = arith.index_cast %add3A_304 : i32 to index
        %get3A_306 = arith.constant 0 : index
        %get3A_307 = tpu.vector_load %arg6[%get3A_305, %get3A_306] {strides = array<i32>} : memref<800x32xf32, #tpu.memory_space<vmem>>, vector<1x16xf32>,
        %get3A_308 = vector.shape_cast %get3A_307 : vector<1x16xf32> to vector<16xf32>
        %add3A_309 = arith.addf %add3A_253, %get3A_308 : vector<16xf32>
        %add3A_310 = arith.constant 17 : i32
        %add3A_311 = arith.addi %mul3A_73, %add3A_310 : i32
        %get3A_312 = arith.index_cast %add3A_311 : i32 to index
        %get3A_313 = arith.constant 16 : index
        %get3A_314 = tpu.vector_load %arg6[%get3A_312, %get3A_313] {strides = array<i32>} : memref<800x32xf32, #tpu.memory_space<vmem>>, vector<1x16xf32>,
        %get3A_315 = vector.shape_cast %get3A_314 : vector<1x16xf32> to vector<16xf32>
        %add3A_316 = arith.addf %add3A_260, %get3A_315 : vector<16xf32>
        %add3A_317 = arith.constant 18 : i32
        %add3A_318 = arith.addi %mul3A_73, %add3A_317 : i32
        %get3A_319 = arith.index_cast %add3A_318 : i32 to index
        %get3A_320 = arith.constant 0 : index
        %get3A_321 = tpu.vector_load %arg6[%get3A_319, %get3A_320] {strides = array<i32>} : memref<800x32xf32, #tpu.memory_space<vmem>>, vector<1x16xf32>,
        %get3A_322 = vector.shape_cast %get3A_321 : vector<1x16xf32> to vector<16xf32>
        %add3A_323 = arith.addf %add3A_267, %get3A_322 : vector<16xf32>
        %add3A_324 = arith.constant 18 : i32
        %add3A_325 = arith.addi %mul3A_73, %add3A_324 : i32
        %get3A_326 = arith.index_cast %add3A_325 : i32 to index
        %get3A_327 = arith.constant 16 : index
        %get3A_328 = tpu.vector_load %arg6[%get3A_326, %get3A_327] {strides = array<i32>} : memref<800x32xf32, #tpu.memory_space<vmem>>, vector<1x16xf32>,
        %get3A_329 = vector.shape_cast %get3A_328 : vector<1x16xf32> to vector<16xf32>
        %add3A_330 = arith.addf %add3A_274, %get3A_329 : vector<16xf32>
        %add3A_331 = arith.constant 19 : i32
        %add3A_332 = arith.addi %mul3A_73, %add3A_331 : i32
        %get3A_333 = arith.index_cast %add3A_332 : i32 to index
        %get3A_334 = arith.constant 0 : index
        %get3A_335 = tpu.vector_load %arg6[%get3A_333, %get3A_334] {strides = array<i32>} : memref<800x32xf32, #tpu.memory_space<vmem>>, vector<1x16xf32>,
        %get3A_336 = vector.shape_cast %get3A_335 : vector<1x16xf32> to vector<16xf32>
        %add3A_337 = arith.addf %add3A_281, %get3A_336 : vector<16xf32>
        %add3A_338 = arith.constant 19 : i32
        %add3A_339 = arith.addi %mul3A_73, %add3A_338 : i32
        %get3A_340 = arith.index_cast %add3A_339 : i32 to index
        %get3A_341 = arith.constant 16 : index
        %get3A_342 = tpu.vector_load %arg6[%get3A_340, %get3A_341] {strides = array<i32>} : memref<800x32xf32, #tpu.memory_space<vmem>>, vector<1x16xf32>,
        %get3A_343 = vector.shape_cast %get3A_342 : vector<1x16xf32> to vector<16xf32>
        %add3A_344 = arith.addf %add3A_288, %get3A_343 : vector<16xf32>
        %add3A_345 = arith.constant 20 : i32
        %add3A_346 = arith.addi %mul3A_73, %add3A_345 : i32
        %get3A_347 = arith.index_cast %add3A_346 : i32 to index
        %get3A_348 = arith.constant 0 : index
        %get3A_349 = tpu.vector_load %arg6[%get3A_347, %get3A_348] {strides = array<i32>} : memref<800x32xf32, #tpu.memory_space<vmem>>, vector<1x16xf32>,
        %get3A_350 = vector.shape_cast %get3A_349 : vector<1x16xf32> to vector<16xf32>
        %add3A_351 = arith.addf %add3A_295, %get3A_350 : vector<16xf32>
        %add3A_352 = arith.constant 20 : i32
        %add3A_353 = arith.addi %mul3A_73, %add3A_352 : i32
        %get3A_354 = arith.index_cast %add3A_353 : i32 to index
        %get3A_355 = arith.constant 16 : index
        %get3A_356 = tpu.vector_load %arg6[%get3A_354, %get3A_355] {strides = array<i32>} : memref<800x32xf32, #tpu.memory_space<vmem>>, vector<1x16xf32>,
        %get3A_357 = vector.shape_cast %get3A_356 : vector<1x16xf32> to vector<16xf32>
        %add3A_358 = arith.addf %add3A_302, %get3A_357 : vector<16xf32>
        %add3A_359 = arith.constant 21 : i32
        %add3A_360 = arith.addi %mul3A_73, %add3A_359 : i32
        %get3A_361 = arith.index_cast %add3A_360 : i32 to index
        %get3A_362 = arith.constant 0 : index
        %get3A_363 = tpu.vector_load %arg6[%get3A_361, %get3A_362] {strides = array<i32>} : memref<800x32xf32, #tpu.memory_space<vmem>>, vector<1x16xf32>,
        %get3A_364 = vector.shape_cast %get3A_363 : vector<1x16xf32> to vector<16xf32>
        %add3A_365 = arith.addf %add3A_309, %get3A_364 : vector<16xf32>
        %add3A_366 = arith.constant 21 : i32
        %add3A_367 = arith.addi %mul3A_73, %add3A_366 : i32
        %get3A_368 = arith.index_cast %add3A_367 : i32 to index
        %get3A_369 = arith.constant 16 : index
        %get3A_370 = tpu.vector_load %arg6[%get3A_368, %get3A_369] {strides = array<i32>} : memref<800x32xf32, #tpu.memory_space<vmem>>, vector<1x16xf32>,
        %get3A_371 = vector.shape_cast %get3A_370 : vector<1x16xf32> to vector<16xf32>
        %add3A_372 = arith.addf %add3A_316, %get3A_371 : vector<16xf32>
        %add3A_373 = arith.constant 22 : i32
        %add3A_374 = arith.addi %mul3A_73, %add3A_373 : i32
        %get3A_375 = arith.index_cast %add3A_374 : i32 to index
        %get3A_376 = arith.constant 0 : index
        %get3A_377 = tpu.vector_load %arg6[%get3A_375, %get3A_376] {strides = array<i32>} : memref<800x32xf32, #tpu.memory_space<vmem>>, vector<1x16xf32>,
        %get3A_378 = vector.shape_cast %get3A_377 : vector<1x16xf32> to vector<16xf32>
        %add3A_379 = arith.addf %add3A_323, %get3A_378 : vector<16xf32>
        %add3A_380 = arith.constant 22 : i32
        %add3A_381 = arith.addi %mul3A_73, %add3A_380 : i32
        %get3A_382 = arith.index_cast %add3A_381 : i32 to index
        %get3A_383 = arith.constant 16 : index
        %get3A_384 = tpu.vector_load %arg6[%get3A_382, %get3A_383] {strides = array<i32>} : memref<800x32xf32, #tpu.memory_space<vmem>>, vector<1x16xf32>,
        %get3A_385 = vector.shape_cast %get3A_384 : vector<1x16xf32> to vector<16xf32>
        %add3A_386 = arith.addf %add3A_330, %get3A_385 : vector<16xf32>
        %add3A_387 = arith.constant 23 : i32
        %add3A_388 = arith.addi %mul3A_73, %add3A_387 : i32
        %get3A_389 = arith.index_cast %add3A_388 : i32 to index
        %get3A_390 = arith.constant 0 : index
        %get3A_391 = tpu.vector_load %arg6[%get3A_389, %get3A_390] {strides = array<i32>} : memref<800x32xf32, #tpu.memory_space<vmem>>, vector<1x16xf32>,
        %get3A_392 = vector.shape_cast %get3A_391 : vector<1x16xf32> to vector<16xf32>
        %add3A_393 = arith.addf %add3A_337, %get3A_392 : vector<16xf32>
        %add3A_394 = arith.constant 23 : i32
        %add3A_395 = arith.addi %mul3A_73, %add3A_394 : i32
        %get3A_396 = arith.index_cast %add3A_395 : i32 to index
        %get3A_397 = arith.constant 16 : index
        %get3A_398 = tpu.vector_load %arg6[%get3A_396, %get3A_397] {strides = array<i32>} : memref<800x32xf32, #tpu.memory_space<vmem>>, vector<1x16xf32>,
        %get3A_399 = vector.shape_cast %get3A_398 : vector<1x16xf32> to vector<16xf32>
        %add3A_400 = arith.addf %add3A_344, %get3A_399 : vector<16xf32>
        %add3A_401 = arith.constant 24 : i32
        %add3A_402 = arith.addi %mul3A_73, %add3A_401 : i32
        %get3A_403 = arith.index_cast %add3A_402 : i32 to index
        %get3A_404 = arith.constant 0 : index
        %get3A_405 = tpu.vector_load %arg6[%get3A_403, %get3A_404] {strides = array<i32>} : memref<800x32xf32, #tpu.memory_space<vmem>>, vector<1x16xf32>,
        %get3A_406 = vector.shape_cast %get3A_405 : vector<1x16xf32> to vector<16xf32>
        %add3A_407 = arith.addf %add3A_351, %get3A_406 : vector<16xf32>
        %add3A_408 = arith.constant 24 : i32
        %add3A_409 = arith.addi %mul3A_73, %add3A_408 : i32
        %get3A_410 = arith.index_cast %add3A_409 : i32 to index
        %get3A_411 = arith.constant 16 : index
        %get3A_412 = tpu.vector_load %arg6[%get3A_410, %get3A_411] {strides = array<i32>} : memref<800x32xf32, #tpu.memory_space<vmem>>, vector<1x16xf32>,
        %get3A_413 = vector.shape_cast %get3A_412 : vector<1x16xf32> to vector<16xf32>
        %add3A_414 = arith.addf %add3A_358, %get3A_413 : vector<16xf32>
        %add3A_415 = arith.constant 25 : i32
        %add3A_416 = arith.addi %mul3A_73, %add3A_415 : i32
        %get3A_417 = arith.index_cast %add3A_416 : i32 to index
        %get3A_418 = arith.constant 0 : index
        %get3A_419 = tpu.vector_load %arg6[%get3A_417, %get3A_418] {strides = array<i32>} : memref<800x32xf32, #tpu.memory_space<vmem>>, vector<1x16xf32>,
        %get3A_420 = vector.shape_cast %get3A_419 : vector<1x16xf32> to vector<16xf32>
        %add3A_421 = arith.addf %add3A_365, %get3A_420 : vector<16xf32>
        %add3A_422 = arith.constant 25 : i32
        %add3A_423 = arith.addi %mul3A_73, %add3A_422 : i32
        %get3A_424 = arith.index_cast %add3A_423 : i32 to index
        %get3A_425 = arith.constant 16 : index
        %get3A_426 = tpu.vector_load %arg6[%get3A_424, %get3A_425] {strides = array<i32>} : memref<800x32xf32, #tpu.memory_space<vmem>>, vector<1x16xf32>,
        %get3A_427 = vector.shape_cast %get3A_426 : vector<1x16xf32> to vector<16xf32>
        %add3A_428 = arith.addf %add3A_372, %get3A_427 : vector<16xf32>
        %add3A_429 = arith.constant 26 : i32
        %add3A_430 = arith.addi %mul3A_73, %add3A_429 : i32
        %get3A_431 = arith.index_cast %add3A_430 : i32 to index
        %get3A_432 = arith.constant 0 : index
        %get3A_433 = tpu.vector_load %arg6[%get3A_431, %get3A_432] {strides = array<i32>} : memref<800x32xf32, #tpu.memory_space<vmem>>, vector<1x16xf32>,
        %get3A_434 = vector.shape_cast %get3A_433 : vector<1x16xf32> to vector<16xf32>
        %add3A_435 = arith.addf %add3A_379, %get3A_434 : vector<16xf32>
        %add3A_436 = arith.constant 26 : i32
        %add3A_437 = arith.addi %mul3A_73, %add3A_436 : i32
        %get3A_438 = arith.index_cast %add3A_437 : i32 to index
        %get3A_439 = arith.constant 16 : index
        %get3A_440 = tpu.vector_load %arg6[%get3A_438, %get3A_439] {strides = array<i32>} : memref<800x32xf32, #tpu.memory_space<vmem>>, vector<1x16xf32>,
        %get3A_441 = vector.shape_cast %get3A_440 : vector<1x16xf32> to vector<16xf32>
        %add3A_442 = arith.addf %add3A_386, %get3A_441 : vector<16xf32>
        %add3A_443 = arith.constant 27 : i32
        %add3A_444 = arith.addi %mul3A_73, %add3A_443 : i32
        %get3A_445 = arith.index_cast %add3A_444 : i32 to index
        %get3A_446 = arith.constant 0 : index
        %get3A_447 = tpu.vector_load %arg6[%get3A_445, %get3A_446] {strides = array<i32>} : memref<800x32xf32, #tpu.memory_space<vmem>>, vector<1x16xf32>,
        %get3A_448 = vector.shape_cast %get3A_447 : vector<1x16xf32> to vector<16xf32>
        %add3A_449 = arith.addf %add3A_393, %get3A_448 : vector<16xf32>
        %add3A_450 = arith.constant 27 : i32
        %add3A_451 = arith.addi %mul3A_73, %add3A_450 : i32
        %get3A_452 = arith.index_cast %add3A_451 : i32 to index
        %get3A_453 = arith.constant 16 : index
        %get3A_454 = tpu.vector_load %arg6[%get3A_452, %get3A_453] {strides = array<i32>} : memref<800x32xf32, #tpu.memory_space<vmem>>, vector<1x16xf32>,
        %get3A_455 = vector.shape_cast %get3A_454 : vector<1x16xf32> to vector<16xf32>
        %add3A_456 = arith.addf %add3A_400, %get3A_455 : vector<16xf32>
        %add3A_457 = arith.constant 28 : i32
        %add3A_458 = arith.addi %mul3A_73, %add3A_457 : i32
        %get3A_459 = arith.index_cast %add3A_458 : i32 to index
        %get3A_460 = arith.constant 0 : index
        %get3A_461 = tpu.vector_load %arg6[%get3A_459, %get3A_460] {strides = array<i32>} : memref<800x32xf32, #tpu.memory_space<vmem>>, vector<1x16xf32>,
        %get3A_462 = vector.shape_cast %get3A_461 : vector<1x16xf32> to vector<16xf32>
        %add3A_463 = arith.addf %add3A_407, %get3A_462 : vector<16xf32>
        %add3A_464 = arith.constant 28 : i32
        %add3A_465 = arith.addi %mul3A_73, %add3A_464 : i32
        %get3A_466 = arith.index_cast %add3A_465 : i32 to index
        %get3A_467 = arith.constant 16 : index
        %get3A_468 = tpu.vector_load %arg6[%get3A_466, %get3A_467] {strides = array<i32>} : memref<800x32xf32, #tpu.memory_space<vmem>>, vector<1x16xf32>,
        %get3A_469 = vector.shape_cast %get3A_468 : vector<1x16xf32> to vector<16xf32>
        %add3A_470 = arith.addf %add3A_414, %get3A_469 : vector<16xf32>
        %add3A_471 = arith.constant 29 : i32
        %add3A_472 = arith.addi %mul3A_73, %add3A_471 : i32
        %get3A_473 = arith.index_cast %add3A_472 : i32 to index
        %get3A_474 = arith.constant 0 : index
        %get3A_475 = tpu.vector_load %arg6[%get3A_473, %get3A_474] {strides = array<i32>} : memref<800x32xf32, #tpu.memory_space<vmem>>, vector<1x16xf32>,
        %get3A_476 = vector.shape_cast %get3A_475 : vector<1x16xf32> to vector<16xf32>
        %add3A_477 = arith.addf %add3A_421, %get3A_476 : vector<16xf32>
        %add3A_478 = arith.constant 29 : i32
        %add3A_479 = arith.addi %mul3A_73, %add3A_478 : i32
        %get3A_480 = arith.index_cast %add3A_479 : i32 to index
        %get3A_481 = arith.constant 16 : index
        %get3A_482 = tpu.vector_load %arg6[%get3A_480, %get3A_481] {strides = array<i32>} : memref<800x32xf32, #tpu.memory_space<vmem>>, vector<1x16xf32>,
        %get3A_483 = vector.shape_cast %get3A_482 : vector<1x16xf32> to vector<16xf32>
        %add3A_484 = arith.addf %add3A_428, %get3A_483 : vector<16xf32>
        %add3A_485 = arith.constant 30 : i32
        %add3A_486 = arith.addi %mul3A_73, %add3A_485 : i32
        %get3A_487 = arith.index_cast %add3A_486 : i32 to index
        %get3A_488 = arith.constant 0 : index
        %get3A_489 = tpu.vector_load %arg6[%get3A_487, %get3A_488] {strides = array<i32>} : memref<800x32xf32, #tpu.memory_space<vmem>>, vector<1x16xf32>,
        %get3A_490 = vector.shape_cast %get3A_489 : vector<1x16xf32> to vector<16xf32>
        %add3A_491 = arith.addf %add3A_435, %get3A_490 : vector<16xf32>
        %add3A_492 = arith.constant 30 : i32
        %add3A_493 = arith.addi %mul3A_73, %add3A_492 : i32
        %get3A_494 = arith.index_cast %add3A_493 : i32 to index
        %get3A_495 = arith.constant 16 : index
        %get3A_496 = tpu.vector_load %arg6[%get3A_494, %get3A_495] {strides = array<i32>} : memref<800x32xf32, #tpu.memory_space<vmem>>, vector<1x16xf32>,
        %get3A_497 = vector.shape_cast %get3A_496 : vector<1x16xf32> to vector<16xf32>
        %add3A_498 = arith.addf %add3A_442, %get3A_497 : vector<16xf32>
        %add3A_499 = arith.constant 31 : i32
        %add3A_500 = arith.addi %mul3A_73, %add3A_499 : i32
        %get3A_501 = arith.index_cast %add3A_500 : i32 to index
        %get3A_502 = arith.constant 0 : index
        %get3A_503 = tpu.vector_load %arg6[%get3A_501, %get3A_502] {strides = array<i32>} : memref<800x32xf32, #tpu.memory_space<vmem>>, vector<1x16xf32>,
        %get3A_504 = vector.shape_cast %get3A_503 : vector<1x16xf32> to vector<16xf32>
        %add3A_505 = arith.addf %add3A_449, %get3A_504 : vector<16xf32>
        %add3A_506 = arith.constant 31 : i32
        %add3A_507 = arith.addi %mul3A_73, %add3A_506 : i32
        %get3A_508 = arith.index_cast %add3A_507 : i32 to index
        %get3A_509 = arith.constant 16 : index
        %get3A_510 = tpu.vector_load %arg6[%get3A_508, %get3A_509] {strides = array<i32>} : memref<800x32xf32, #tpu.memory_space<vmem>>, vector<1x16xf32>,
        %get3A_511 = vector.shape_cast %get3A_510 : vector<1x16xf32> to vector<16xf32>
        %add3A_512 = arith.addf %add3A_456, %get3A_511 : vector<16xf32>
        %add3A_513 = arith.constant 32 : i32
        %add3A_514 = arith.addi %mul3A_73, %add3A_513 : i32
        %get3A_515 = arith.index_cast %add3A_514 : i32 to index
        %get3A_516 = arith.constant 0 : index
        %get3A_517 = tpu.vector_load %arg6[%get3A_515, %get3A_516] {strides = array<i32>} : memref<800x32xf32, #tpu.memory_space<vmem>>, vector<1x16xf32>,
        %get3A_518 = vector.shape_cast %get3A_517 : vector<1x16xf32> to vector<16xf32>
        %add3A_519 = arith.addf %add3A_463, %get3A_518 : vector<16xf32>
        %add3A_520 = arith.constant 32 : i32
        %add3A_521 = arith.addi %mul3A_73, %add3A_520 : i32
        %get3A_522 = arith.index_cast %add3A_521 : i32 to index
        %get3A_523 = arith.constant 16 : index
        %get3A_524 = tpu.vector_load %arg6[%get3A_522, %get3A_523] {strides = array<i32>} : memref<800x32xf32, #tpu.memory_space<vmem>>, vector<1x16xf32>,
        %get3A_525 = vector.shape_cast %get3A_524 : vector<1x16xf32> to vector<16xf32>
        %add3A_526 = arith.addf %add3A_470, %get3A_525 : vector<16xf32>
        %add3A_527 = arith.constant 33 : i32
        %add3A_528 = arith.addi %mul3A_73, %add3A_527 : i32
        %get3A_529 = arith.index_cast %add3A_528 : i32 to index
        %get3A_530 = arith.constant 0 : index
        %get3A_531 = tpu.vector_load %arg6[%get3A_529, %get3A_530] {strides = array<i32>} : memref<800x32xf32, #tpu.memory_space<vmem>>, vector<1x16xf32>,
        %get3A_532 = vector.shape_cast %get3A_531 : vector<1x16xf32> to vector<16xf32>
        %add3A_533 = arith.addf %add3A_477, %get3A_532 : vector<16xf32>
        %add3A_534 = arith.constant 33 : i32
        %add3A_535 = arith.addi %mul3A_73, %add3A_534 : i32
        %get3A_536 = arith.index_cast %add3A_535 : i32 to index
        %get3A_537 = arith.constant 16 : index
        %get3A_538 = tpu.vector_load %arg6[%get3A_536, %get3A_537] {strides = array<i32>} : memref<800x32xf32, #tpu.memory_space<vmem>>, vector<1x16xf32>,
        %get3A_539 = vector.shape_cast %get3A_538 : vector<1x16xf32> to vector<16xf32>
        %add3A_540 = arith.addf %add3A_484, %get3A_539 : vector<16xf32>
        %add3A_541 = arith.constant 34 : i32
        %add3A_542 = arith.addi %mul3A_73, %add3A_541 : i32
        %get3A_543 = arith.index_cast %add3A_542 : i32 to index
        %get3A_544 = arith.constant 0 : index
        %get3A_545 = tpu.vector_load %arg6[%get3A_543, %get3A_544] {strides = array<i32>} : memref<800x32xf32, #tpu.memory_space<vmem>>, vector<1x16xf32>,
        %get3A_546 = vector.shape_cast %get3A_545 : vector<1x16xf32> to vector<16xf32>
        %add3A_547 = arith.addf %add3A_491, %get3A_546 : vector<16xf32>
        %add3A_548 = arith.constant 34 : i32
        %add3A_549 = arith.addi %mul3A_73, %add3A_548 : i32
        %get3A_550 = arith.index_cast %add3A_549 : i32 to index
        %get3A_551 = arith.constant 16 : index
        %get3A_552 = tpu.vector_load %arg6[%get3A_550, %get3A_551] {strides = array<i32>} : memref<800x32xf32, #tpu.memory_space<vmem>>, vector<1x16xf32>,
        %get3A_553 = vector.shape_cast %get3A_552 : vector<1x16xf32> to vector<16xf32>
        %add3A_554 = arith.addf %add3A_498, %get3A_553 : vector<16xf32>
        %add3A_555 = arith.constant 35 : i32
        %add3A_556 = arith.addi %mul3A_73, %add3A_555 : i32
        %get3A_557 = arith.index_cast %add3A_556 : i32 to index
        %get3A_558 = arith.constant 0 : index
        %get3A_559 = tpu.vector_load %arg6[%get3A_557, %get3A_558] {strides = array<i32>} : memref<800x32xf32, #tpu.memory_space<vmem>>, vector<1x16xf32>,
        %get3A_560 = vector.shape_cast %get3A_559 : vector<1x16xf32> to vector<16xf32>
        %add3A_561 = arith.addf %add3A_505, %get3A_560 : vector<16xf32>
        %add3A_562 = arith.constant 35 : i32
        %add3A_563 = arith.addi %mul3A_73, %add3A_562 : i32
        %get3A_564 = arith.index_cast %add3A_563 : i32 to index
        %get3A_565 = arith.constant 16 : index
        %get3A_566 = tpu.vector_load %arg6[%get3A_564, %get3A_565] {strides = array<i32>} : memref<800x32xf32, #tpu.memory_space<vmem>>, vector<1x16xf32>,
        %get3A_567 = vector.shape_cast %get3A_566 : vector<1x16xf32> to vector<16xf32>
        %add3A_568 = arith.addf %add3A_512, %get3A_567 : vector<16xf32>
        %add3A_569 = arith.constant 36 : i32
        %add3A_570 = arith.addi %mul3A_73, %add3A_569 : i32
        %get3A_571 = arith.index_cast %add3A_570 : i32 to index
        %get3A_572 = arith.constant 0 : index
        %get3A_573 = tpu.vector_load %arg6[%get3A_571, %get3A_572] {strides = array<i32>} : memref<800x32xf32, #tpu.memory_space<vmem>>, vector<1x16xf32>,
        %get3A_574 = vector.shape_cast %get3A_573 : vector<1x16xf32> to vector<16xf32>
        %add3A_575 = arith.addf %add3A_519, %get3A_574 : vector<16xf32>
        %add3A_576 = arith.constant 36 : i32
        %add3A_577 = arith.addi %mul3A_73, %add3A_576 : i32
        %get3A_578 = arith.index_cast %add3A_577 : i32 to index
        %get3A_579 = arith.constant 16 : index
        %get3A_580 = tpu.vector_load %arg6[%get3A_578, %get3A_579] {strides = array<i32>} : memref<800x32xf32, #tpu.memory_space<vmem>>, vector<1x16xf32>,
        %get3A_581 = vector.shape_cast %get3A_580 : vector<1x16xf32> to vector<16xf32>
        %add3A_582 = arith.addf %add3A_526, %get3A_581 : vector<16xf32>
        %add3A_583 = arith.constant 37 : i32
        %add3A_584 = arith.addi %mul3A_73, %add3A_583 : i32
        %get3A_585 = arith.index_cast %add3A_584 : i32 to index
        %get3A_586 = arith.constant 0 : index
        %get3A_587 = tpu.vector_load %arg6[%get3A_585, %get3A_586] {strides = array<i32>} : memref<800x32xf32, #tpu.memory_space<vmem>>, vector<1x16xf32>,
        %get3A_588 = vector.shape_cast %get3A_587 : vector<1x16xf32> to vector<16xf32>
        %add3A_589 = arith.addf %add3A_533, %get3A_588 : vector<16xf32>
        %add3A_590 = arith.constant 37 : i32
        %add3A_591 = arith.addi %mul3A_73, %add3A_590 : i32
        %get3A_592 = arith.index_cast %add3A_591 : i32 to index
        %get3A_593 = arith.constant 16 : index
        %get3A_594 = tpu.vector_load %arg6[%get3A_592, %get3A_593] {strides = array<i32>} : memref<800x32xf32, #tpu.memory_space<vmem>>, vector<1x16xf32>,
        %get3A_595 = vector.shape_cast %get3A_594 : vector<1x16xf32> to vector<16xf32>
        %add3A_596 = arith.addf %add3A_540, %get3A_595 : vector<16xf32>
        %add3A_597 = arith.constant 38 : i32
        %add3A_598 = arith.addi %mul3A_73, %add3A_597 : i32
        %get3A_599 = arith.index_cast %add3A_598 : i32 to index
        %get3A_600 = arith.constant 0 : index
        %get3A_601 = tpu.vector_load %arg6[%get3A_599, %get3A_600] {strides = array<i32>} : memref<800x32xf32, #tpu.memory_space<vmem>>, vector<1x16xf32>,
        %get3A_602 = vector.shape_cast %get3A_601 : vector<1x16xf32> to vector<16xf32>
        %add3A_603 = arith.addf %add3A_547, %get3A_602 : vector<16xf32>
        %add3A_604 = arith.constant 38 : i32
        %add3A_605 = arith.addi %mul3A_73, %add3A_604 : i32
        %get3A_606 = arith.index_cast %add3A_605 : i32 to index
        %get3A_607 = arith.constant 16 : index
        %get3A_608 = tpu.vector_load %arg6[%get3A_606, %get3A_607] {strides = array<i32>} : memref<800x32xf32, #tpu.memory_space<vmem>>, vector<1x16xf32>,
        %get3A_609 = vector.shape_cast %get3A_608 : vector<1x16xf32> to vector<16xf32>
        %add3A_610 = arith.addf %add3A_554, %get3A_609 : vector<16xf32>
        %add3A_611 = arith.constant 39 : i32
        %add3A_612 = arith.addi %mul3A_73, %add3A_611 : i32
        %get3A_613 = arith.index_cast %add3A_612 : i32 to index
        %get3A_614 = arith.constant 0 : index
        %get3A_615 = tpu.vector_load %arg6[%get3A_613, %get3A_614] {strides = array<i32>} : memref<800x32xf32, #tpu.memory_space<vmem>>, vector<1x16xf32>,
        %get3A_616 = vector.shape_cast %get3A_615 : vector<1x16xf32> to vector<16xf32>
        %add3A_617 = arith.addf %add3A_561, %get3A_616 : vector<16xf32>
        %add3A_618 = arith.constant 39 : i32
        %add3A_619 = arith.addi %mul3A_73, %add3A_618 : i32
        %get3A_620 = arith.index_cast %add3A_619 : i32 to index
        %get3A_621 = arith.constant 16 : index
        %get3A_622 = tpu.vector_load %arg6[%get3A_620, %get3A_621] {strides = array<i32>} : memref<800x32xf32, #tpu.memory_space<vmem>>, vector<1x16xf32>,
        %get3A_623 = vector.shape_cast %get3A_622 : vector<1x16xf32> to vector<16xf32>
        %add3A_624 = arith.addf %add3A_568, %get3A_623 : vector<16xf32>
        %add3A_625 = arith.constant 40 : i32
        %add3A_626 = arith.addi %mul3A_73, %add3A_625 : i32
        %get3A_627 = arith.index_cast %add3A_626 : i32 to index
        %get3A_628 = arith.constant 0 : index
        %get3A_629 = tpu.vector_load %arg6[%get3A_627, %get3A_628] {strides = array<i32>} : memref<800x32xf32, #tpu.memory_space<vmem>>, vector<1x16xf32>,
        %get3A_630 = vector.shape_cast %get3A_629 : vector<1x16xf32> to vector<16xf32>
        %add3A_631 = arith.addf %add3A_575, %get3A_630 : vector<16xf32>
        %add3A_632 = arith.constant 40 : i32
        %add3A_633 = arith.addi %mul3A_73, %add3A_632 : i32
        %get3A_634 = arith.index_cast %add3A_633 : i32 to index
        %get3A_635 = arith.constant 16 : index
        %get3A_636 = tpu.vector_load %arg6[%get3A_634, %get3A_635] {strides = array<i32>} : memref<800x32xf32, #tpu.memory_space<vmem>>, vector<1x16xf32>,
        %get3A_637 = vector.shape_cast %get3A_636 : vector<1x16xf32> to vector<16xf32>
        %add3A_638 = arith.addf %add3A_582, %get3A_637 : vector<16xf32>
        %add3A_639 = arith.constant 41 : i32
        %add3A_640 = arith.addi %mul3A_73, %add3A_639 : i32
        %get3A_641 = arith.index_cast %add3A_640 : i32 to index
        %get3A_642 = arith.constant 0 : index
        %get3A_643 = tpu.vector_load %arg6[%get3A_641, %get3A_642] {strides = array<i32>} : memref<800x32xf32, #tpu.memory_space<vmem>>, vector<1x16xf32>,
        %get3A_644 = vector.shape_cast %get3A_643 : vector<1x16xf32> to vector<16xf32>
        %add3A_645 = arith.addf %add3A_589, %get3A_644 : vector<16xf32>
        %add3A_646 = arith.constant 41 : i32
        %add3A_647 = arith.addi %mul3A_73, %add3A_646 : i32
        %get3A_648 = arith.index_cast %add3A_647 : i32 to index
        %get3A_649 = arith.constant 16 : index
        %get3A_650 = tpu.vector_load %arg6[%get3A_648, %get3A_649] {strides = array<i32>} : memref<800x32xf32, #tpu.memory_space<vmem>>, vector<1x16xf32>,
        %get3A_651 = vector.shape_cast %get3A_650 : vector<1x16xf32> to vector<16xf32>
        %add3A_652 = arith.addf %add3A_596, %get3A_651 : vector<16xf32>
        %add3A_653 = arith.constant 42 : i32
        %add3A_654 = arith.addi %mul3A_73, %add3A_653 : i32
        %get3A_655 = arith.index_cast %add3A_654 : i32 to index
        %get3A_656 = arith.constant 0 : index
        %get3A_657 = tpu.vector_load %arg6[%get3A_655, %get3A_656] {strides = array<i32>} : memref<800x32xf32, #tpu.memory_space<vmem>>, vector<1x16xf32>,
        %get3A_658 = vector.shape_cast %get3A_657 : vector<1x16xf32> to vector<16xf32>
        %add3A_659 = arith.addf %add3A_603, %get3A_658 : vector<16xf32>
        %add3A_660 = arith.constant 42 : i32
        %add3A_661 = arith.addi %mul3A_73, %add3A_660 : i32
        %get3A_662 = arith.index_cast %add3A_661 : i32 to index
        %get3A_663 = arith.constant 16 : index
        %get3A_664 = tpu.vector_load %arg6[%get3A_662, %get3A_663] {strides = array<i32>} : memref<800x32xf32, #tpu.memory_space<vmem>>, vector<1x16xf32>,
        %get3A_665 = vector.shape_cast %get3A_664 : vector<1x16xf32> to vector<16xf32>
        %add3A_666 = arith.addf %add3A_610, %get3A_665 : vector<16xf32>
        %add3A_667 = arith.constant 43 : i32
        %add3A_668 = arith.addi %mul3A_73, %add3A_667 : i32
        %get3A_669 = arith.index_cast %add3A_668 : i32 to index
        %get3A_670 = arith.constant 0 : index
        %get3A_671 = tpu.vector_load %arg6[%get3A_669, %get3A_670] {strides = array<i32>} : memref<800x32xf32, #tpu.memory_space<vmem>>, vector<1x16xf32>,
        %get3A_672 = vector.shape_cast %get3A_671 : vector<1x16xf32> to vector<16xf32>
        %add3A_673 = arith.addf %add3A_617, %get3A_672 : vector<16xf32>
        %add3A_674 = arith.constant 43 : i32
        %add3A_675 = arith.addi %mul3A_73, %add3A_674 : i32
        %get3A_676 = arith.index_cast %add3A_675 : i32 to index
        %get3A_677 = arith.constant 16 : index
        %get3A_678 = tpu.vector_load %arg6[%get3A_676, %get3A_677] {strides = array<i32>} : memref<800x32xf32, #tpu.memory_space<vmem>>, vector<1x16xf32>,
        %get3A_679 = vector.shape_cast %get3A_678 : vector<1x16xf32> to vector<16xf32>
        %add3A_680 = arith.addf %add3A_624, %get3A_679 : vector<16xf32>
        %add3A_681 = arith.constant 44 : i32
        %add3A_682 = arith.addi %mul3A_73, %add3A_681 : i32
        %get3A_683 = arith.index_cast %add3A_682 : i32 to index
        %get3A_684 = arith.constant 0 : index
        %get3A_685 = tpu.vector_load %arg6[%get3A_683, %get3A_684] {strides = array<i32>} : memref<800x32xf32, #tpu.memory_space<vmem>>, vector<1x16xf32>,
        %get3A_686 = vector.shape_cast %get3A_685 : vector<1x16xf32> to vector<16xf32>
        %add3A_687 = arith.addf %add3A_631, %get3A_686 : vector<16xf32>
        %add3A_688 = arith.constant 44 : i32
        %add3A_689 = arith.addi %mul3A_73, %add3A_688 : i32
        %get3A_690 = arith.index_cast %add3A_689 : i32 to index
        %get3A_691 = arith.constant 16 : index
        %get3A_692 = tpu.vector_load %arg6[%get3A_690, %get3A_691] {strides = array<i32>} : memref<800x32xf32, #tpu.memory_space<vmem>>, vector<1x16xf32>,
        %get3A_693 = vector.shape_cast %get3A_692 : vector<1x16xf32> to vector<16xf32>
        %add3A_694 = arith.addf %add3A_638, %get3A_693 : vector<16xf32>
        %add3A_695 = arith.constant 45 : i32
        %add3A_696 = arith.addi %mul3A_73, %add3A_695 : i32
        %get3A_697 = arith.index_cast %add3A_696 : i32 to index
        %get3A_698 = arith.constant 0 : index
        %get3A_699 = tpu.vector_load %arg6[%get3A_697, %get3A_698] {strides = array<i32>} : memref<800x32xf32, #tpu.memory_space<vmem>>, vector<1x16xf32>,
        %get3A_700 = vector.shape_cast %get3A_699 : vector<1x16xf32> to vector<16xf32>
        %add3A_701 = arith.addf %add3A_645, %get3A_700 : vector<16xf32>
        %add3A_702 = arith.constant 45 : i32
        %add3A_703 = arith.addi %mul3A_73, %add3A_702 : i32
        %get3A_704 = arith.index_cast %add3A_703 : i32 to index
        %get3A_705 = arith.constant 16 : index
        %get3A_706 = tpu.vector_load %arg6[%get3A_704, %get3A_705] {strides = array<i32>} : memref<800x32xf32, #tpu.memory_space<vmem>>, vector<1x16xf32>,
        %get3A_707 = vector.shape_cast %get3A_706 : vector<1x16xf32> to vector<16xf32>
        %add3A_708 = arith.addf %add3A_652, %get3A_707 : vector<16xf32>
        %add3A_709 = arith.constant 46 : i32
        %add3A_710 = arith.addi %mul3A_73, %add3A_709 : i32
        %get3A_711 = arith.index_cast %add3A_710 : i32 to index
        %get3A_712 = arith.constant 0 : index
        %get3A_713 = tpu.vector_load %arg6[%get3A_711, %get3A_712] {strides = array<i32>} : memref<800x32xf32, #tpu.memory_space<vmem>>, vector<1x16xf32>,
        %get3A_714 = vector.shape_cast %get3A_713 : vector<1x16xf32> to vector<16xf32>
        %add3A_715 = arith.addf %add3A_659, %get3A_714 : vector<16xf32>
        %add3A_716 = arith.constant 46 : i32
        %add3A_717 = arith.addi %mul3A_73, %add3A_716 : i32
        %get3A_718 = arith.index_cast %add3A_717 : i32 to index
        %get3A_719 = arith.constant 16 : index
        %get3A_720 = tpu.vector_load %arg6[%get3A_718, %get3A_719] {strides = array<i32>} : memref<800x32xf32, #tpu.memory_space<vmem>>, vector<1x16xf32>,
        %get3A_721 = vector.shape_cast %get3A_720 : vector<1x16xf32> to vector<16xf32>
        %add3A_722 = arith.addf %add3A_666, %get3A_721 : vector<16xf32>
        %add3A_723 = arith.constant 47 : i32
        %add3A_724 = arith.addi %mul3A_73, %add3A_723 : i32
        %get3A_725 = arith.index_cast %add3A_724 : i32 to index
        %get3A_726 = arith.constant 0 : index
        %get3A_727 = tpu.vector_load %arg6[%get3A_725, %get3A_726] {strides = array<i32>} : memref<800x32xf32, #tpu.memory_space<vmem>>, vector<1x16xf32>,
        %get3A_728 = vector.shape_cast %get3A_727 : vector<1x16xf32> to vector<16xf32>
        %add3A_729 = arith.addf %add3A_673, %get3A_728 : vector<16xf32>
        %add3A_730 = arith.constant 47 : i32
        %add3A_731 = arith.addi %mul3A_73, %add3A_730 : i32
        %get3A_732 = arith.index_cast %add3A_731 : i32 to index
        %get3A_733 = arith.constant 16 : index
        %get3A_734 = tpu.vector_load %arg6[%get3A_732, %get3A_733] {strides = array<i32>} : memref<800x32xf32, #tpu.memory_space<vmem>>, vector<1x16xf32>,
        %get3A_735 = vector.shape_cast %get3A_734 : vector<1x16xf32> to vector<16xf32>
        %add3A_736 = arith.addf %add3A_680, %get3A_735 : vector<16xf32>
        %add3A_737 = arith.constant 48 : i32
        %add3A_738 = arith.addi %mul3A_73, %add3A_737 : i32
        %get3A_739 = arith.index_cast %add3A_738 : i32 to index
        %get3A_740 = arith.constant 0 : index
        %get3A_741 = tpu.vector_load %arg6[%get3A_739, %get3A_740] {strides = array<i32>} : memref<800x32xf32, #tpu.memory_space<vmem>>, vector<1x16xf32>,
        %get3A_742 = vector.shape_cast %get3A_741 : vector<1x16xf32> to vector<16xf32>
        %add3A_743 = arith.addf %add3A_687, %get3A_742 : vector<16xf32>
        %add3A_744 = arith.constant 48 : i32
        %add3A_745 = arith.addi %mul3A_73, %add3A_744 : i32
        %get3A_746 = arith.index_cast %add3A_745 : i32 to index
        %get3A_747 = arith.constant 16 : index
        %get3A_748 = tpu.vector_load %arg6[%get3A_746, %get3A_747] {strides = array<i32>} : memref<800x32xf32, #tpu.memory_space<vmem>>, vector<1x16xf32>,
        %get3A_749 = vector.shape_cast %get3A_748 : vector<1x16xf32> to vector<16xf32>
        %add3A_750 = arith.addf %add3A_694, %get3A_749 : vector<16xf32>
        %add3A_751 = arith.constant 49 : i32
        %add3A_752 = arith.addi %mul3A_73, %add3A_751 : i32
        %get3A_753 = arith.index_cast %add3A_752 : i32 to index
        %get3A_754 = arith.constant 0 : index
        %get3A_755 = tpu.vector_load %arg6[%get3A_753, %get3A_754] {strides = array<i32>} : memref<800x32xf32, #tpu.memory_space<vmem>>, vector<1x16xf32>,
        %get3A_756 = vector.shape_cast %get3A_755 : vector<1x16xf32> to vector<16xf32>
        %add3A_757 = arith.addf %add3A_701, %get3A_756 : vector<16xf32>
        %add3A_758 = arith.constant 49 : i32
        %add3A_759 = arith.addi %mul3A_73, %add3A_758 : i32
        %get3A_760 = arith.index_cast %add3A_759 : i32 to index
        %get3A_761 = arith.constant 16 : index
        %get3A_762 = tpu.vector_load %arg6[%get3A_760, %get3A_761] {strides = array<i32>} : memref<800x32xf32, #tpu.memory_space<vmem>>, vector<1x16xf32>,
        %get3A_763 = vector.shape_cast %get3A_762 : vector<1x16xf32> to vector<16xf32>
        %add3A_764 = arith.addf %add3A_708, %get3A_763 : vector<16xf32>
        %add3A_765 = arith.addf %add3A_743, %add3A_757 : vector<16xf32>
        %add3A_766 = arith.addf %add3A_715, %add3A_729 : vector<16xf32>
        %add3A_767 = arith.addf %add3A_765, %add3A_766 : vector<16xf32>
        %mul3A_768 = vector.broadcast %scan3A_9 : f32 to vector<16xf32>
        %mul3A_769 = arith.mulf %add3A_767, %mul3A_768 : vector<16xf32>
        %swap3A = arith.index_cast %scan3A_70 : i32 to index
        %swap3A_770 = arith.constant 0 : index
        %swap3A_771 = tpu.vector_load %arg8[%swap3A, %swap3A_770] {strides = array<i32>} : memref<16x32xf32, #tpu.memory_space<vmem>>, vector<1x16xf32>,
        %swap3A_772 = vector.shape_cast %swap3A_771 : vector<1x16xf32> to vector<16xf32>
        %swap3A_773 = vector.shape_cast %mul3A_769 : vector<16xf32> to vector<1x16xf32>
        tpu.vector_store %arg8[%swap3A, %swap3A_770], %swap3A_773 {strides = array<i32>} : memref<16x32xf32, #tpu.memory_space<vmem>>, vector<1x16xf32>,
        %add3A_774 = arith.addf %add3A_750, %add3A_764 : vector<16xf32>
        %add3A_775 = arith.addf %add3A_722, %add3A_736 : vector<16xf32>
        %add3A_776 = arith.addf %add3A_774, %add3A_775 : vector<16xf32>
        %mul3A_777 = vector.broadcast %scan3A_9 : f32 to vector<16xf32>
        %mul3A_778 = arith.mulf %add3A_776, %mul3A_777 : vector<16xf32>
        %swap3A_779 = arith.index_cast %scan3A_70 : i32 to index
        %swap3A_780 = arith.constant 16 : index
        %swap3A_781 = tpu.vector_load %arg8[%swap3A_779, %swap3A_780] {strides = array<i32>} : memref<16x32xf32, #tpu.memory_space<vmem>>, vector<1x16xf32>,
        %swap3A_782 = vector.shape_cast %swap3A_781 : vector<1x16xf32> to vector<16xf32>
        %swap3A_783 = vector.shape_cast %mul3A_778 : vector<16xf32> to vector<1x16xf32>
        tpu.vector_store %arg8[%swap3A_779, %swap3A_780], %swap3A_783 {strides = array<i32>} : memref<16x32xf32, #tpu.memory_space<vmem>>, vector<1x16xf32>,
        %scan3A_784 = arith.constant 0 : i32
        scf.yield %scan3A_784 : i32
      }
      %scan3A_41 = arith.constant 16 : i32
      %mul3A_42 = arith.constant 512 : i32
      %mul3A_43 = arith.muli %add3A, %mul3A_42 : i32
      %mul3A_44 = arith.constant 16 : i32
      %mul3A_45 = arith.muli %mul3A_20, %mul3A_44 : i32
      %add3A_46 = arith.addi %mul3A_43, %mul3A_45 : i32
      "tpu.region"() ({
        %run_scoped3A = tpu.sem_alloc : memref<!tpu.dma_semaphore, #tpu.memory_space<semaphore_mem>>
        %dma_start3A = arith.constant 0 : i32
        %dma_start3A_70 = tpu.memref_slice %arg4[%add3A_46, %dma_start3A] : memref<16384x32xf32, #tpu.memory_space<hbm>> -> memref<16x32xf32, #tpu.memory_space<hbm>>
        %dma_start3A_71 = arith.constant 0 : i32
        %dma_start3A_72 = tpu.memref_slice %arg4[%add3A_46, %dma_start3A_71] : memref<16384x32xf32, #tpu.memory_space<hbm>> -> memref<16x32xf32, #tpu.memory_space<hbm>>
        tpu.enqueue_dma source(%arg8 : memref<16x32xf32, #tpu.memory_space<vmem>>) target(%dma_start3A_72 : memref<16x32xf32, #tpu.memory_space<hbm>>) target_semaphore(%run_scoped3A : memref<!tpu.dma_semaphore, #tpu.memory_space<semaphore_mem>>)
        %dma_wait3A_73 = arith.constant 0 : i32
        %dma_wait3A_74 = tpu.memref_slice %arg4[%add3A_46, %dma_wait3A_73] : memref<16384x32xf32, #tpu.memory_space<hbm>> -> memref<16x32xf32, #tpu.memory_space<hbm>>
        %dma_wait3A_75 = arith.constant 0 : i32
        %dma_wait3A_76 = tpu.memref_slice %arg4[%add3A_46, %dma_wait3A_75] : memref<16384x32xf32, #tpu.memory_space<hbm>> -> memref<16x32xf32, #tpu.memory_space<hbm>>
        tpu.wait_dma2 semaphore(%run_scoped3A : memref<!tpu.dma_semaphore, #tpu.memory_space<semaphore_mem>>) src(%arg8 : memref<16x32xf32, #tpu.memory_space<vmem>>) dst(%dma_wait3A_76 : memref<16x32xf32, #tpu.memory_space<hbm>>)
        tpu.yield
      }) : () -> ()
      %lt3A = arith.constant 15 : i32
      %lt3A_47 = arith.cmpi slt, %scan3A_17, %lt3A : i32
      %convert_element_type3A = arith.extui %lt3A_47 : i1 to i32
      %cond3A = arith.constant 0 : i32
      %cond3A_48 = arith.cmpi ne, %convert_element_type3A, %cond3A : i32
      scf.if %cond3A_48 {
        %add3A_70 = arith.constant 2 : i32
        %add3A_71 = arith.addi %mul3A_20, %add3A_70 : i32
        %scan3A_72 = arith.constant 0 : i32
        %scan3A_73 = arith.constant 0 : i32
        %scan3A_74 = arith.constant 16 : i32
        %scan3A_75 = arith.addi %scan3A_73, %scan3A_74 : i32
        %scan3A_76 = arith.constant 1 : i32
        %scan3A_77 = scf.for %scan3A_79 = %scan3A_73 to %scan3A_75 step %scan3A_76 iter_args(%scan3A_80 = %scan3A_72) -> (i32)  : i32 {
          %mul3A_81 = arith.constant 16 : i32
          %mul3A_82 = arith.muli %add3A_71, %mul3A_81 : i32
          %add3A_83 = arith.addi %mul3A_82, %scan3A_79 : i32
          %mul3A_84 = arith.constant 50 : i32
          %mul3A_85 = arith.muli %scan3A_79, %mul3A_84 : i32
          %dma_start3A = arith.constant 0 : i32
          %dma_start3A_86 = tpu.memref_slice %arg6[%mul3A_85, %dma_start3A] : memref<800x32xf32, #tpu.memory_space<vmem>> -> memref<50x32xf32, #tpu.memory_space<vmem>>
          %dma_start3A_87 = arith.constant 0 : i32
          %dma_start3A_88 = tpu.memref_slice %arg5[%add3A_83, %dma_start3A_87] : memref<512x50xi32, #tpu.memory_space<vmem>> -> memref<1x50xi32, #tpu.memory_space<vmem>>
          %dma_start3A_89 = tpu.memref_squeeze %dma_start3A_88 : memref<1x50xi32, #tpu.memory_space<vmem>> -> memref<50xi32, #tpu.memory_space<vmem>>
          %dma_start3A_90 = arith.constant 0 : i32
          %dma_start3A_91 = arith.constant 0 : i32
          %dma_start3A_92 = tpu.memref_slice %arg2[%dma_start3A_90, %dma_start3A_91] : memref<1000000x32xf32, #tpu.memory_space<hbm>> -> memref<1000000x32xf32, #tpu.memory_space<hbm>>
          tpu.enqueue_indirect_dma source(%dma_start3A_92 : memref<1000000x32xf32, #tpu.memory_space<hbm>>) target(%dma_start3A_86 : memref<50x32xf32, #tpu.memory_space<vmem>>) offsets(%dma_start3A_89 : memref<50xi32, #tpu.memory_space<vmem>>) semaphore(%arg9 : memref<!tpu.dma_semaphore, #tpu.memory_space<semaphore_mem>>)
          %scan3A_93 = arith.constant 0 : i32
          scf.yield %scan3A_93 : i32
        }
        %scan3A_78 = arith.constant 16 : i32
      } else {
      }
      %dma_wait3A_49 = arith.constant 0 : i32
      %dma_wait3A_50 = arith.constant 0 : i32
      %dma_wait3A_51 = tpu.memref_slice %arg2[%dma_wait3A_49, %dma_wait3A_50] : memref<1000000x32xf32, #tpu.memory_space<hbm>> -> memref<800x32xf32, #tpu.memory_space<hbm>>
      %dma_wait3A_52 = arith.constant 0 : i32
      %dma_wait3A_53 = arith.constant 0 : i32
      %dma_wait3A_54 = tpu.memref_slice %arg2[%dma_wait3A_52, %dma_wait3A_53] : memref<1000000x32xf32, #tpu.memory_space<hbm>> -> memref<800x32xf32, #tpu.memory_space<hbm>>
      tpu.wait_dma2 semaphore(%arg10 : memref<!tpu.dma_semaphore, #tpu.memory_space<semaphore_mem>>) src(%dma_wait3A_54 : memref<800x32xf32, #tpu.memory_space<hbm>>) dst(%arg7 : memref<800x32xf32, #tpu.memory_space<vmem>>)
      %add3A_55 = arith.constant 1 : i32
      %add3A_56 = arith.addi %mul3A_20, %add3A_55 : i32
      %scan3A_57 = arith.constant 0 : i32
      %scan3A_58 = arith.constant 0 : i32
      %scan3A_59 = arith.constant 16 : i32
      %scan3A_60 = arith.addi %scan3A_58, %scan3A_59 : i32
      %scan3A_61 = arith.constant 1 : i32
      %scan3A_62 = scf.for %scan3A_70 = %scan3A_58 to %scan3A_60 step %scan3A_61 iter_args(%scan3A_71 = %scan3A_57) -> (i32)  : i32 {
        %mul3A_72 = arith.constant 50 : i32
        %mul3A_73 = arith.muli %scan3A_70, %mul3A_72 : i32
        %add3A_74 = arith.constant 0 : i32
        %add3A_75 = arith.addi %mul3A_73, %add3A_74 : i32
        %get3A = arith.index_cast %add3A_75 : i32 to index
        %get3A_76 = arith.constant 0 : index
        %get3A_77 = tpu.vector_load %arg7[%get3A, %get3A_76] {strides = array<i32>} : memref<800x32xf32, #tpu.memory_space<vmem>>, vector<1x16xf32>,
        %get3A_78 = vector.shape_cast %get3A_77 : vector<1x16xf32> to vector<16xf32>
        %add3A_79 = arith.constant 1 : i32
        %add3A_80 = arith.addi %mul3A_73, %add3A_79 : i32
        %get3A_81 = arith.index_cast %add3A_80 : i32 to index
        %get3A_82 = arith.constant 0 : index
        %get3A_83 = tpu.vector_load %arg7[%get3A_81, %get3A_82] {strides = array<i32>} : memref<800x32xf32, #tpu.memory_space<vmem>>, vector<1x16xf32>,
        %get3A_84 = vector.shape_cast %get3A_83 : vector<1x16xf32> to vector<16xf32>
        %add3A_85 = arith.constant 2 : i32
        %add3A_86 = arith.addi %mul3A_73, %add3A_85 : i32
        %get3A_87 = arith.index_cast %add3A_86 : i32 to index
        %get3A_88 = arith.constant 0 : index
        %get3A_89 = tpu.vector_load %arg7[%get3A_87, %get3A_88] {strides = array<i32>} : memref<800x32xf32, #tpu.memory_space<vmem>>, vector<1x16xf32>,
        %get3A_90 = vector.shape_cast %get3A_89 : vector<1x16xf32> to vector<16xf32>
        %add3A_91 = arith.constant 3 : i32
        %add3A_92 = arith.addi %mul3A_73, %add3A_91 : i32
        %get3A_93 = arith.index_cast %add3A_92 : i32 to index
        %get3A_94 = arith.constant 0 : index
        %get3A_95 = tpu.vector_load %arg7[%get3A_93, %get3A_94] {strides = array<i32>} : memref<800x32xf32, #tpu.memory_space<vmem>>, vector<1x16xf32>,
        %get3A_96 = vector.shape_cast %get3A_95 : vector<1x16xf32> to vector<16xf32>
        %add3A_97 = arith.constant 0 : i32
        %add3A_98 = arith.addi %mul3A_73, %add3A_97 : i32
        %get3A_99 = arith.index_cast %add3A_98 : i32 to index
        %get3A_100 = arith.constant 16 : index
        %get3A_101 = tpu.vector_load %arg7[%get3A_99, %get3A_100] {strides = array<i32>} : memref<800x32xf32, #tpu.memory_space<vmem>>, vector<1x16xf32>,
        %get3A_102 = vector.shape_cast %get3A_101 : vector<1x16xf32> to vector<16xf32>
        %add3A_103 = arith.constant 1 : i32
        %add3A_104 = arith.addi %mul3A_73, %add3A_103 : i32
        %get3A_105 = arith.index_cast %add3A_104 : i32 to index
        %get3A_106 = arith.constant 16 : index
        %get3A_107 = tpu.vector_load %arg7[%get3A_105, %get3A_106] {strides = array<i32>} : memref<800x32xf32, #tpu.memory_space<vmem>>, vector<1x16xf32>,
        %get3A_108 = vector.shape_cast %get3A_107 : vector<1x16xf32> to vector<16xf32>
        %add3A_109 = arith.constant 2 : i32
        %add3A_110 = arith.addi %mul3A_73, %add3A_109 : i32
        %get3A_111 = arith.index_cast %add3A_110 : i32 to index
        %get3A_112 = arith.constant 16 : index
        %get3A_113 = tpu.vector_load %arg7[%get3A_111, %get3A_112] {strides = array<i32>} : memref<800x32xf32, #tpu.memory_space<vmem>>, vector<1x16xf32>,
        %get3A_114 = vector.shape_cast %get3A_113 : vector<1x16xf32> to vector<16xf32>
        %add3A_115 = arith.constant 3 : i32
        %add3A_116 = arith.addi %mul3A_73, %add3A_115 : i32
        %get3A_117 = arith.index_cast %add3A_116 : i32 to index
        %get3A_118 = arith.constant 16 : index
        %get3A_119 = tpu.vector_load %arg7[%get3A_117, %get3A_118] {strides = array<i32>} : memref<800x32xf32, #tpu.memory_space<vmem>>, vector<1x16xf32>,
        %get3A_120 = vector.shape_cast %get3A_119 : vector<1x16xf32> to vector<16xf32>
        %add3A_121 = arith.constant 4 : i32
        %add3A_122 = arith.addi %mul3A_73, %add3A_121 : i32
        %get3A_123 = arith.index_cast %add3A_122 : i32 to index
        %get3A_124 = arith.constant 0 : index
        %get3A_125 = tpu.vector_load %arg7[%get3A_123, %get3A_124] {strides = array<i32>} : memref<800x32xf32, #tpu.memory_space<vmem>>, vector<1x16xf32>,
        %get3A_126 = vector.shape_cast %get3A_125 : vector<1x16xf32> to vector<16xf32>
        %add3A_127 = arith.addf %get3A_78, %get3A_126 : vector<16xf32>
        %add3A_128 = arith.constant 4 : i32
        %add3A_129 = arith.addi %mul3A_73, %add3A_128 : i32
        %get3A_130 = arith.index_cast %add3A_129 : i32 to index
        %get3A_131 = arith.constant 16 : index
        %get3A_132 = tpu.vector_load %arg7[%get3A_130, %get3A_131] {strides = array<i32>} : memref<800x32xf32, #tpu.memory_space<vmem>>, vector<1x16xf32>,
        %get3A_133 = vector.shape_cast %get3A_132 : vector<1x16xf32> to vector<16xf32>
        %add3A_134 = arith.addf %get3A_102, %get3A_133 : vector<16xf32>
        %add3A_135 = arith.constant 5 : i32
        %add3A_136 = arith.addi %mul3A_73, %add3A_135 : i32
        %get3A_137 = arith.index_cast %add3A_136 : i32 to index
        %get3A_138 = arith.constant 0 : index
        %get3A_139 = tpu.vector_load %arg7[%get3A_137, %get3A_138] {strides = array<i32>} : memref<800x32xf32, #tpu.memory_space<vmem>>, vector<1x16xf32>,
        %get3A_140 = vector.shape_cast %get3A_139 : vector<1x16xf32> to vector<16xf32>
        %add3A_141 = arith.addf %get3A_84, %get3A_140 : vector<16xf32>
        %add3A_142 = arith.constant 5 : i32
        %add3A_143 = arith.addi %mul3A_73, %add3A_142 : i32
        %get3A_144 = arith.index_cast %add3A_143 : i32 to index
        %get3A_145 = arith.constant 16 : index
        %get3A_146 = tpu.vector_load %arg7[%get3A_144, %get3A_145] {strides = array<i32>} : memref<800x32xf32, #tpu.memory_space<vmem>>, vector<1x16xf32>,
        %get3A_147 = vector.shape_cast %get3A_146 : vector<1x16xf32> to vector<16xf32>
        %add3A_148 = arith.addf %get3A_108, %get3A_147 : vector<16xf32>
        %add3A_149 = arith.constant 6 : i32
        %add3A_150 = arith.addi %mul3A_73, %add3A_149 : i32
        %get3A_151 = arith.index_cast %add3A_150 : i32 to index
        %get3A_152 = arith.constant 0 : index
        %get3A_153 = tpu.vector_load %arg7[%get3A_151, %get3A_152] {strides = array<i32>} : memref<800x32xf32, #tpu.memory_space<vmem>>, vector<1x16xf32>,
        %get3A_154 = vector.shape_cast %get3A_153 : vector<1x16xf32> to vector<16xf32>
        %add3A_155 = arith.addf %get3A_90, %get3A_154 : vector<16xf32>
        %add3A_156 = arith.constant 6 : i32
        %add3A_157 = arith.addi %mul3A_73, %add3A_156 : i32
        %get3A_158 = arith.index_cast %add3A_157 : i32 to index
        %get3A_159 = arith.constant 16 : index
        %get3A_160 = tpu.vector_load %arg7[%get3A_158, %get3A_159] {strides = array<i32>} : memref<800x32xf32, #tpu.memory_space<vmem>>, vector<1x16xf32>,
        %get3A_161 = vector.shape_cast %get3A_160 : vector<1x16xf32> to vector<16xf32>
        %add3A_162 = arith.addf %get3A_114, %get3A_161 : vector<16xf32>
        %add3A_163 = arith.constant 7 : i32
        %add3A_164 = arith.addi %mul3A_73, %add3A_163 : i32
        %get3A_165 = arith.index_cast %add3A_164 : i32 to index
        %get3A_166 = arith.constant 0 : index
        %get3A_167 = tpu.vector_load %arg7[%get3A_165, %get3A_166] {strides = array<i32>} : memref<800x32xf32, #tpu.memory_space<vmem>>, vector<1x16xf32>,
        %get3A_168 = vector.shape_cast %get3A_167 : vector<1x16xf32> to vector<16xf32>
        %add3A_169 = arith.addf %get3A_96, %get3A_168 : vector<16xf32>
        %add3A_170 = arith.constant 7 : i32
        %add3A_171 = arith.addi %mul3A_73, %add3A_170 : i32
        %get3A_172 = arith.index_cast %add3A_171 : i32 to index
        %get3A_173 = arith.constant 16 : index
        %get3A_174 = tpu.vector_load %arg7[%get3A_172, %get3A_173] {strides = array<i32>} : memref<800x32xf32, #tpu.memory_space<vmem>>, vector<1x16xf32>,
        %get3A_175 = vector.shape_cast %get3A_174 : vector<1x16xf32> to vector<16xf32>
        %add3A_176 = arith.addf %get3A_120, %get3A_175 : vector<16xf32>
        %add3A_177 = arith.constant 8 : i32
        %add3A_178 = arith.addi %mul3A_73, %add3A_177 : i32
        %get3A_179 = arith.index_cast %add3A_178 : i32 to index
        %get3A_180 = arith.constant 0 : index
        %get3A_181 = tpu.vector_load %arg7[%get3A_179, %get3A_180] {strides = array<i32>} : memref<800x32xf32, #tpu.memory_space<vmem>>, vector<1x16xf32>,
        %get3A_182 = vector.shape_cast %get3A_181 : vector<1x16xf32> to vector<16xf32>
        %add3A_183 = arith.addf %add3A_127, %get3A_182 : vector<16xf32>
        %add3A_184 = arith.constant 8 : i32
        %add3A_185 = arith.addi %mul3A_73, %add3A_184 : i32
        %get3A_186 = arith.index_cast %add3A_185 : i32 to index
        %get3A_187 = arith.constant 16 : index
        %get3A_188 = tpu.vector_load %arg7[%get3A_186, %get3A_187] {strides = array<i32>} : memref<800x32xf32, #tpu.memory_space<vmem>>, vector<1x16xf32>,
        %get3A_189 = vector.shape_cast %get3A_188 : vector<1x16xf32> to vector<16xf32>
        %add3A_190 = arith.addf %add3A_134, %get3A_189 : vector<16xf32>
        %add3A_191 = arith.constant 9 : i32
        %add3A_192 = arith.addi %mul3A_73, %add3A_191 : i32
        %get3A_193 = arith.index_cast %add3A_192 : i32 to index
        %get3A_194 = arith.constant 0 : index
        %get3A_195 = tpu.vector_load %arg7[%get3A_193, %get3A_194] {strides = array<i32>} : memref<800x32xf32, #tpu.memory_space<vmem>>, vector<1x16xf32>,
        %get3A_196 = vector.shape_cast %get3A_195 : vector<1x16xf32> to vector<16xf32>
        %add3A_197 = arith.addf %add3A_141, %get3A_196 : vector<16xf32>
        %add3A_198 = arith.constant 9 : i32
        %add3A_199 = arith.addi %mul3A_73, %add3A_198 : i32
        %get3A_200 = arith.index_cast %add3A_199 : i32 to index
        %get3A_201 = arith.constant 16 : index
        %get3A_202 = tpu.vector_load %arg7[%get3A_200, %get3A_201] {strides = array<i32>} : memref<800x32xf32, #tpu.memory_space<vmem>>, vector<1x16xf32>,
        %get3A_203 = vector.shape_cast %get3A_202 : vector<1x16xf32> to vector<16xf32>
        %add3A_204 = arith.addf %add3A_148, %get3A_203 : vector<16xf32>
        %add3A_205 = arith.constant 10 : i32
        %add3A_206 = arith.addi %mul3A_73, %add3A_205 : i32
        %get3A_207 = arith.index_cast %add3A_206 : i32 to index
        %get3A_208 = arith.constant 0 : index
        %get3A_209 = tpu.vector_load %arg7[%get3A_207, %get3A_208] {strides = array<i32>} : memref<800x32xf32, #tpu.memory_space<vmem>>, vector<1x16xf32>,
        %get3A_210 = vector.shape_cast %get3A_209 : vector<1x16xf32> to vector<16xf32>
        %add3A_211 = arith.addf %add3A_155, %get3A_210 : vector<16xf32>
        %add3A_212 = arith.constant 10 : i32
        %add3A_213 = arith.addi %mul3A_73, %add3A_212 : i32
        %get3A_214 = arith.index_cast %add3A_213 : i32 to index
        %get3A_215 = arith.constant 16 : index
        %get3A_216 = tpu.vector_load %arg7[%get3A_214, %get3A_215] {strides = array<i32>} : memref<800x32xf32, #tpu.memory_space<vmem>>, vector<1x16xf32>,
        %get3A_217 = vector.shape_cast %get3A_216 : vector<1x16xf32> to vector<16xf32>
        %add3A_218 = arith.addf %add3A_162, %get3A_217 : vector<16xf32>
        %add3A_219 = arith.constant 11 : i32
        %add3A_220 = arith.addi %mul3A_73, %add3A_219 : i32
        %get3A_221 = arith.index_cast %add3A_220 : i32 to index
        %get3A_222 = arith.constant 0 : index
        %get3A_223 = tpu.vector_load %arg7[%get3A_221, %get3A_222] {strides = array<i32>} : memref<800x32xf32, #tpu.memory_space<vmem>>, vector<1x16xf32>,
        %get3A_224 = vector.shape_cast %get3A_223 : vector<1x16xf32> to vector<16xf32>
        %add3A_225 = arith.addf %add3A_169, %get3A_224 : vector<16xf32>
        %add3A_226 = arith.constant 11 : i32
        %add3A_227 = arith.addi %mul3A_73, %add3A_226 : i32
        %get3A_228 = arith.index_cast %add3A_227 : i32 to index
        %get3A_229 = arith.constant 16 : index
        %get3A_230 = tpu.vector_load %arg7[%get3A_228, %get3A_229] {strides = array<i32>} : memref<800x32xf32, #tpu.memory_space<vmem>>, vector<1x16xf32>,
        %get3A_231 = vector.shape_cast %get3A_230 : vector<1x16xf32> to vector<16xf32>
        %add3A_232 = arith.addf %add3A_176, %get3A_231 : vector<16xf32>
        %add3A_233 = arith.constant 12 : i32
        %add3A_234 = arith.addi %mul3A_73, %add3A_233 : i32
        %get3A_235 = arith.index_cast %add3A_234 : i32 to index
        %get3A_236 = arith.constant 0 : index
        %get3A_237 = tpu.vector_load %arg7[%get3A_235, %get3A_236] {strides = array<i32>} : memref<800x32xf32, #tpu.memory_space<vmem>>, vector<1x16xf32>,
        %get3A_238 = vector.shape_cast %get3A_237 : vector<1x16xf32> to vector<16xf32>
        %add3A_239 = arith.addf %add3A_183, %get3A_238 : vector<16xf32>
        %add3A_240 = arith.constant 12 : i32
        %add3A_241 = arith.addi %mul3A_73, %add3A_240 : i32
        %get3A_242 = arith.index_cast %add3A_241 : i32 to index
        %get3A_243 = arith.constant 16 : index
        %get3A_244 = tpu.vector_load %arg7[%get3A_242, %get3A_243] {strides = array<i32>} : memref<800x32xf32, #tpu.memory_space<vmem>>, vector<1x16xf32>,
        %get3A_245 = vector.shape_cast %get3A_244 : vector<1x16xf32> to vector<16xf32>
        %add3A_246 = arith.addf %add3A_190, %get3A_245 : vector<16xf32>
        %add3A_247 = arith.constant 13 : i32
        %add3A_248 = arith.addi %mul3A_73, %add3A_247 : i32
        %get3A_249 = arith.index_cast %add3A_248 : i32 to index
        %get3A_250 = arith.constant 0 : index
        %get3A_251 = tpu.vector_load %arg7[%get3A_249, %get3A_250] {strides = array<i32>} : memref<800x32xf32, #tpu.memory_space<vmem>>, vector<1x16xf32>,
        %get3A_252 = vector.shape_cast %get3A_251 : vector<1x16xf32> to vector<16xf32>
        %add3A_253 = arith.addf %add3A_197, %get3A_252 : vector<16xf32>
        %add3A_254 = arith.constant 13 : i32
        %add3A_255 = arith.addi %mul3A_73, %add3A_254 : i32
        %get3A_256 = arith.index_cast %add3A_255 : i32 to index
        %get3A_257 = arith.constant 16 : index
        %get3A_258 = tpu.vector_load %arg7[%get3A_256, %get3A_257] {strides = array<i32>} : memref<800x32xf32, #tpu.memory_space<vmem>>, vector<1x16xf32>,
        %get3A_259 = vector.shape_cast %get3A_258 : vector<1x16xf32> to vector<16xf32>
        %add3A_260 = arith.addf %add3A_204, %get3A_259 : vector<16xf32>
        %add3A_261 = arith.constant 14 : i32
        %add3A_262 = arith.addi %mul3A_73, %add3A_261 : i32
        %get3A_263 = arith.index_cast %add3A_262 : i32 to index
        %get3A_264 = arith.constant 0 : index
        %get3A_265 = tpu.vector_load %arg7[%get3A_263, %get3A_264] {strides = array<i32>} : memref<800x32xf32, #tpu.memory_space<vmem>>, vector<1x16xf32>,
        %get3A_266 = vector.shape_cast %get3A_265 : vector<1x16xf32> to vector<16xf32>
        %add3A_267 = arith.addf %add3A_211, %get3A_266 : vector<16xf32>
        %add3A_268 = arith.constant 14 : i32
        %add3A_269 = arith.addi %mul3A_73, %add3A_268 : i32
        %get3A_270 = arith.index_cast %add3A_269 : i32 to index
        %get3A_271 = arith.constant 16 : index
        %get3A_272 = tpu.vector_load %arg7[%get3A_270, %get3A_271] {strides = array<i32>} : memref<800x32xf32, #tpu.memory_space<vmem>>, vector<1x16xf32>,
        %get3A_273 = vector.shape_cast %get3A_272 : vector<1x16xf32> to vector<16xf32>
        %add3A_274 = arith.addf %add3A_218, %get3A_273 : vector<16xf32>
        %add3A_275 = arith.constant 15 : i32
        %add3A_276 = arith.addi %mul3A_73, %add3A_275 : i32
        %get3A_277 = arith.index_cast %add3A_276 : i32 to index
        %get3A_278 = arith.constant 0 : index
        %get3A_279 = tpu.vector_load %arg7[%get3A_277, %get3A_278] {strides = array<i32>} : memref<800x32xf32, #tpu.memory_space<vmem>>, vector<1x16xf32>,
        %get3A_280 = vector.shape_cast %get3A_279 : vector<1x16xf32> to vector<16xf32>
        %add3A_281 = arith.addf %add3A_225, %get3A_280 : vector<16xf32>
        %add3A_282 = arith.constant 15 : i32
        %add3A_283 = arith.addi %mul3A_73, %add3A_282 : i32
        %get3A_284 = arith.index_cast %add3A_283 : i32 to index
        %get3A_285 = arith.constant 16 : index
        %get3A_286 = tpu.vector_load %arg7[%get3A_284, %get3A_285] {strides = array<i32>} : memref<800x32xf32, #tpu.memory_space<vmem>>, vector<1x16xf32>,
        %get3A_287 = vector.shape_cast %get3A_286 : vector<1x16xf32> to vector<16xf32>
        %add3A_288 = arith.addf %add3A_232, %get3A_287 : vector<16xf32>
        %add3A_289 = arith.constant 16 : i32
        %add3A_290 = arith.addi %mul3A_73, %add3A_289 : i32
        %get3A_291 = arith.index_cast %add3A_290 : i32 to index
        %get3A_292 = arith.constant 0 : index
        %get3A_293 = tpu.vector_load %arg7[%get3A_291, %get3A_292] {strides = array<i32>} : memref<800x32xf32, #tpu.memory_space<vmem>>, vector<1x16xf32>,
        %get3A_294 = vector.shape_cast %get3A_293 : vector<1x16xf32> to vector<16xf32>
        %add3A_295 = arith.addf %add3A_239, %get3A_294 : vector<16xf32>
        %add3A_296 = arith.constant 16 : i32
        %add3A_297 = arith.addi %mul3A_73, %add3A_296 : i32
        %get3A_298 = arith.index_cast %add3A_297 : i32 to index
        %get3A_299 = arith.constant 16 : index
        %get3A_300 = tpu.vector_load %arg7[%get3A_298, %get3A_299] {strides = array<i32>} : memref<800x32xf32, #tpu.memory_space<vmem>>, vector<1x16xf32>,
        %get3A_301 = vector.shape_cast %get3A_300 : vector<1x16xf32> to vector<16xf32>
        %add3A_302 = arith.addf %add3A_246, %get3A_301 : vector<16xf32>
        %add3A_303 = arith.constant 17 : i32
        %add3A_304 = arith.addi %mul3A_73, %add3A_303 : i32
        %get3A_305 = arith.index_cast %add3A_304 : i32 to index
        %get3A_306 = arith.constant 0 : index
        %get3A_307 = tpu.vector_load %arg7[%get3A_305, %get3A_306] {strides = array<i32>} : memref<800x32xf32, #tpu.memory_space<vmem>>, vector<1x16xf32>,
        %get3A_308 = vector.shape_cast %get3A_307 : vector<1x16xf32> to vector<16xf32>
        %add3A_309 = arith.addf %add3A_253, %get3A_308 : vector<16xf32>
        %add3A_310 = arith.constant 17 : i32
        %add3A_311 = arith.addi %mul3A_73, %add3A_310 : i32
        %get3A_312 = arith.index_cast %add3A_311 : i32 to index
        %get3A_313 = arith.constant 16 : index
        %get3A_314 = tpu.vector_load %arg7[%get3A_312, %get3A_313] {strides = array<i32>} : memref<800x32xf32, #tpu.memory_space<vmem>>, vector<1x16xf32>,
        %get3A_315 = vector.shape_cast %get3A_314 : vector<1x16xf32> to vector<16xf32>
        %add3A_316 = arith.addf %add3A_260, %get3A_315 : vector<16xf32>
        %add3A_317 = arith.constant 18 : i32
        %add3A_318 = arith.addi %mul3A_73, %add3A_317 : i32
        %get3A_319 = arith.index_cast %add3A_318 : i32 to index
        %get3A_320 = arith.constant 0 : index
        %get3A_321 = tpu.vector_load %arg7[%get3A_319, %get3A_320] {strides = array<i32>} : memref<800x32xf32, #tpu.memory_space<vmem>>, vector<1x16xf32>,
        %get3A_322 = vector.shape_cast %get3A_321 : vector<1x16xf32> to vector<16xf32>
        %add3A_323 = arith.addf %add3A_267, %get3A_322 : vector<16xf32>
        %add3A_324 = arith.constant 18 : i32
        %add3A_325 = arith.addi %mul3A_73, %add3A_324 : i32
        %get3A_326 = arith.index_cast %add3A_325 : i32 to index
        %get3A_327 = arith.constant 16 : index
        %get3A_328 = tpu.vector_load %arg7[%get3A_326, %get3A_327] {strides = array<i32>} : memref<800x32xf32, #tpu.memory_space<vmem>>, vector<1x16xf32>,
        %get3A_329 = vector.shape_cast %get3A_328 : vector<1x16xf32> to vector<16xf32>
        %add3A_330 = arith.addf %add3A_274, %get3A_329 : vector<16xf32>
        %add3A_331 = arith.constant 19 : i32
        %add3A_332 = arith.addi %mul3A_73, %add3A_331 : i32
        %get3A_333 = arith.index_cast %add3A_332 : i32 to index
        %get3A_334 = arith.constant 0 : index
        %get3A_335 = tpu.vector_load %arg7[%get3A_333, %get3A_334] {strides = array<i32>} : memref<800x32xf32, #tpu.memory_space<vmem>>, vector<1x16xf32>,
        %get3A_336 = vector.shape_cast %get3A_335 : vector<1x16xf32> to vector<16xf32>
        %add3A_337 = arith.addf %add3A_281, %get3A_336 : vector<16xf32>
        %add3A_338 = arith.constant 19 : i32
        %add3A_339 = arith.addi %mul3A_73, %add3A_338 : i32
        %get3A_340 = arith.index_cast %add3A_339 : i32 to index
        %get3A_341 = arith.constant 16 : index
        %get3A_342 = tpu.vector_load %arg7[%get3A_340, %get3A_341] {strides = array<i32>} : memref<800x32xf32, #tpu.memory_space<vmem>>, vector<1x16xf32>,
        %get3A_343 = vector.shape_cast %get3A_342 : vector<1x16xf32> to vector<16xf32>
        %add3A_344 = arith.addf %add3A_288, %get3A_343 : vector<16xf32>
        %add3A_345 = arith.constant 20 : i32
        %add3A_346 = arith.addi %mul3A_73, %add3A_345 : i32
        %get3A_347 = arith.index_cast %add3A_346 : i32 to index
        %get3A_348 = arith.constant 0 : index
        %get3A_349 = tpu.vector_load %arg7[%get3A_347, %get3A_348] {strides = array<i32>} : memref<800x32xf32, #tpu.memory_space<vmem>>, vector<1x16xf32>,
        %get3A_350 = vector.shape_cast %get3A_349 : vector<1x16xf32> to vector<16xf32>
        %add3A_351 = arith.addf %add3A_295, %get3A_350 : vector<16xf32>
        %add3A_352 = arith.constant 20 : i32
        %add3A_353 = arith.addi %mul3A_73, %add3A_352 : i32
        %get3A_354 = arith.index_cast %add3A_353 : i32 to index
        %get3A_355 = arith.constant 16 : index
        %get3A_356 = tpu.vector_load %arg7[%get3A_354, %get3A_355] {strides = array<i32>} : memref<800x32xf32, #tpu.memory_space<vmem>>, vector<1x16xf32>,
        %get3A_357 = vector.shape_cast %get3A_356 : vector<1x16xf32> to vector<16xf32>
        %add3A_358 = arith.addf %add3A_302, %get3A_357 : vector<16xf32>
        %add3A_359 = arith.constant 21 : i32
        %add3A_360 = arith.addi %mul3A_73, %add3A_359 : i32
        %get3A_361 = arith.index_cast %add3A_360 : i32 to index
        %get3A_362 = arith.constant 0 : index
        %get3A_363 = tpu.vector_load %arg7[%get3A_361, %get3A_362] {strides = array<i32>} : memref<800x32xf32, #tpu.memory_space<vmem>>, vector<1x16xf32>,
        %get3A_364 = vector.shape_cast %get3A_363 : vector<1x16xf32> to vector<16xf32>
        %add3A_365 = arith.addf %add3A_309, %get3A_364 : vector<16xf32>
        %add3A_366 = arith.constant 21 : i32
        %add3A_367 = arith.addi %mul3A_73, %add3A_366 : i32
        %get3A_368 = arith.index_cast %add3A_367 : i32 to index
        %get3A_369 = arith.constant 16 : index
        %get3A_370 = tpu.vector_load %arg7[%get3A_368, %get3A_369] {strides = array<i32>} : memref<800x32xf32, #tpu.memory_space<vmem>>, vector<1x16xf32>,
        %get3A_371 = vector.shape_cast %get3A_370 : vector<1x16xf32> to vector<16xf32>
        %add3A_372 = arith.addf %add3A_316, %get3A_371 : vector<16xf32>
        %add3A_373 = arith.constant 22 : i32
        %add3A_374 = arith.addi %mul3A_73, %add3A_373 : i32
        %get3A_375 = arith.index_cast %add3A_374 : i32 to index
        %get3A_376 = arith.constant 0 : index
        %get3A_377 = tpu.vector_load %arg7[%get3A_375, %get3A_376] {strides = array<i32>} : memref<800x32xf32, #tpu.memory_space<vmem>>, vector<1x16xf32>,
        %get3A_378 = vector.shape_cast %get3A_377 : vector<1x16xf32> to vector<16xf32>
        %add3A_379 = arith.addf %add3A_323, %get3A_378 : vector<16xf32>
        %add3A_380 = arith.constant 22 : i32
        %add3A_381 = arith.addi %mul3A_73, %add3A_380 : i32
        %get3A_382 = arith.index_cast %add3A_381 : i32 to index
        %get3A_383 = arith.constant 16 : index
        %get3A_384 = tpu.vector_load %arg7[%get3A_382, %get3A_383] {strides = array<i32>} : memref<800x32xf32, #tpu.memory_space<vmem>>, vector<1x16xf32>,
        %get3A_385 = vector.shape_cast %get3A_384 : vector<1x16xf32> to vector<16xf32>
        %add3A_386 = arith.addf %add3A_330, %get3A_385 : vector<16xf32>
        %add3A_387 = arith.constant 23 : i32
        %add3A_388 = arith.addi %mul3A_73, %add3A_387 : i32
        %get3A_389 = arith.index_cast %add3A_388 : i32 to index
        %get3A_390 = arith.constant 0 : index
        %get3A_391 = tpu.vector_load %arg7[%get3A_389, %get3A_390] {strides = array<i32>} : memref<800x32xf32, #tpu.memory_space<vmem>>, vector<1x16xf32>,
        %get3A_392 = vector.shape_cast %get3A_391 : vector<1x16xf32> to vector<16xf32>
        %add3A_393 = arith.addf %add3A_337, %get3A_392 : vector<16xf32>
        %add3A_394 = arith.constant 23 : i32
        %add3A_395 = arith.addi %mul3A_73, %add3A_394 : i32
        %get3A_396 = arith.index_cast %add3A_395 : i32 to index
        %get3A_397 = arith.constant 16 : index
        %get3A_398 = tpu.vector_load %arg7[%get3A_396, %get3A_397] {strides = array<i32>} : memref<800x32xf32, #tpu.memory_space<vmem>>, vector<1x16xf32>,
        %get3A_399 = vector.shape_cast %get3A_398 : vector<1x16xf32> to vector<16xf32>
        %add3A_400 = arith.addf %add3A_344, %get3A_399 : vector<16xf32>
        %add3A_401 = arith.constant 24 : i32
        %add3A_402 = arith.addi %mul3A_73, %add3A_401 : i32
        %get3A_403 = arith.index_cast %add3A_402 : i32 to index
        %get3A_404 = arith.constant 0 : index
        %get3A_405 = tpu.vector_load %arg7[%get3A_403, %get3A_404] {strides = array<i32>} : memref<800x32xf32, #tpu.memory_space<vmem>>, vector<1x16xf32>,
        %get3A_406 = vector.shape_cast %get3A_405 : vector<1x16xf32> to vector<16xf32>
        %add3A_407 = arith.addf %add3A_351, %get3A_406 : vector<16xf32>
        %add3A_408 = arith.constant 24 : i32
        %add3A_409 = arith.addi %mul3A_73, %add3A_408 : i32
        %get3A_410 = arith.index_cast %add3A_409 : i32 to index
        %get3A_411 = arith.constant 16 : index
        %get3A_412 = tpu.vector_load %arg7[%get3A_410, %get3A_411] {strides = array<i32>} : memref<800x32xf32, #tpu.memory_space<vmem>>, vector<1x16xf32>,
        %get3A_413 = vector.shape_cast %get3A_412 : vector<1x16xf32> to vector<16xf32>
        %add3A_414 = arith.addf %add3A_358, %get3A_413 : vector<16xf32>
        %add3A_415 = arith.constant 25 : i32
        %add3A_416 = arith.addi %mul3A_73, %add3A_415 : i32
        %get3A_417 = arith.index_cast %add3A_416 : i32 to index
        %get3A_418 = arith.constant 0 : index
        %get3A_419 = tpu.vector_load %arg7[%get3A_417, %get3A_418] {strides = array<i32>} : memref<800x32xf32, #tpu.memory_space<vmem>>, vector<1x16xf32>,
        %get3A_420 = vector.shape_cast %get3A_419 : vector<1x16xf32> to vector<16xf32>
        %add3A_421 = arith.addf %add3A_365, %get3A_420 : vector<16xf32>
        %add3A_422 = arith.constant 25 : i32
        %add3A_423 = arith.addi %mul3A_73, %add3A_422 : i32
        %get3A_424 = arith.index_cast %add3A_423 : i32 to index
        %get3A_425 = arith.constant 16 : index
        %get3A_426 = tpu.vector_load %arg7[%get3A_424, %get3A_425] {strides = array<i32>} : memref<800x32xf32, #tpu.memory_space<vmem>>, vector<1x16xf32>,
        %get3A_427 = vector.shape_cast %get3A_426 : vector<1x16xf32> to vector<16xf32>
        %add3A_428 = arith.addf %add3A_372, %get3A_427 : vector<16xf32>
        %add3A_429 = arith.constant 26 : i32
        %add3A_430 = arith.addi %mul3A_73, %add3A_429 : i32
        %get3A_431 = arith.index_cast %add3A_430 : i32 to index
        %get3A_432 = arith.constant 0 : index
        %get3A_433 = tpu.vector_load %arg7[%get3A_431, %get3A_432] {strides = array<i32>} : memref<800x32xf32, #tpu.memory_space<vmem>>, vector<1x16xf32>,
        %get3A_434 = vector.shape_cast %get3A_433 : vector<1x16xf32> to vector<16xf32>
        %add3A_435 = arith.addf %add3A_379, %get3A_434 : vector<16xf32>
        %add3A_436 = arith.constant 26 : i32
        %add3A_437 = arith.addi %mul3A_73, %add3A_436 : i32
        %get3A_438 = arith.index_cast %add3A_437 : i32 to index
        %get3A_439 = arith.constant 16 : index
        %get3A_440 = tpu.vector_load %arg7[%get3A_438, %get3A_439] {strides = array<i32>} : memref<800x32xf32, #tpu.memory_space<vmem>>, vector<1x16xf32>,
        %get3A_441 = vector.shape_cast %get3A_440 : vector<1x16xf32> to vector<16xf32>
        %add3A_442 = arith.addf %add3A_386, %get3A_441 : vector<16xf32>
        %add3A_443 = arith.constant 27 : i32
        %add3A_444 = arith.addi %mul3A_73, %add3A_443 : i32
        %get3A_445 = arith.index_cast %add3A_444 : i32 to index
        %get3A_446 = arith.constant 0 : index
        %get3A_447 = tpu.vector_load %arg7[%get3A_445, %get3A_446] {strides = array<i32>} : memref<800x32xf32, #tpu.memory_space<vmem>>, vector<1x16xf32>,
        %get3A_448 = vector.shape_cast %get3A_447 : vector<1x16xf32> to vector<16xf32>
        %add3A_449 = arith.addf %add3A_393, %get3A_448 : vector<16xf32>
        %add3A_450 = arith.constant 27 : i32
        %add3A_451 = arith.addi %mul3A_73, %add3A_450 : i32
        %get3A_452 = arith.index_cast %add3A_451 : i32 to index
        %get3A_453 = arith.constant 16 : index
        %get3A_454 = tpu.vector_load %arg7[%get3A_452, %get3A_453] {strides = array<i32>} : memref<800x32xf32, #tpu.memory_space<vmem>>, vector<1x16xf32>,
        %get3A_455 = vector.shape_cast %get3A_454 : vector<1x16xf32> to vector<16xf32>
        %add3A_456 = arith.addf %add3A_400, %get3A_455 : vector<16xf32>
        %add3A_457 = arith.constant 28 : i32
        %add3A_458 = arith.addi %mul3A_73, %add3A_457 : i32
        %get3A_459 = arith.index_cast %add3A_458 : i32 to index
        %get3A_460 = arith.constant 0 : index
        %get3A_461 = tpu.vector_load %arg7[%get3A_459, %get3A_460] {strides = array<i32>} : memref<800x32xf32, #tpu.memory_space<vmem>>, vector<1x16xf32>,
        %get3A_462 = vector.shape_cast %get3A_461 : vector<1x16xf32> to vector<16xf32>
        %add3A_463 = arith.addf %add3A_407, %get3A_462 : vector<16xf32>
        %add3A_464 = arith.constant 28 : i32
        %add3A_465 = arith.addi %mul3A_73, %add3A_464 : i32
        %get3A_466 = arith.index_cast %add3A_465 : i32 to index
        %get3A_467 = arith.constant 16 : index
        %get3A_468 = tpu.vector_load %arg7[%get3A_466, %get3A_467] {strides = array<i32>} : memref<800x32xf32, #tpu.memory_space<vmem>>, vector<1x16xf32>,
        %get3A_469 = vector.shape_cast %get3A_468 : vector<1x16xf32> to vector<16xf32>
        %add3A_470 = arith.addf %add3A_414, %get3A_469 : vector<16xf32>
        %add3A_471 = arith.constant 29 : i32
        %add3A_472 = arith.addi %mul3A_73, %add3A_471 : i32
        %get3A_473 = arith.index_cast %add3A_472 : i32 to index
        %get3A_474 = arith.constant 0 : index
        %get3A_475 = tpu.vector_load %arg7[%get3A_473, %get3A_474] {strides = array<i32>} : memref<800x32xf32, #tpu.memory_space<vmem>>, vector<1x16xf32>,
        %get3A_476 = vector.shape_cast %get3A_475 : vector<1x16xf32> to vector<16xf32>
        %add3A_477 = arith.addf %add3A_421, %get3A_476 : vector<16xf32>
        %add3A_478 = arith.constant 29 : i32
        %add3A_479 = arith.addi %mul3A_73, %add3A_478 : i32
        %get3A_480 = arith.index_cast %add3A_479 : i32 to index
        %get3A_481 = arith.constant 16 : index
        %get3A_482 = tpu.vector_load %arg7[%get3A_480, %get3A_481] {strides = array<i32>} : memref<800x32xf32, #tpu.memory_space<vmem>>, vector<1x16xf32>,
        %get3A_483 = vector.shape_cast %get3A_482 : vector<1x16xf32> to vector<16xf32>
        %add3A_484 = arith.addf %add3A_428, %get3A_483 : vector<16xf32>
        %add3A_485 = arith.constant 30 : i32
        %add3A_486 = arith.addi %mul3A_73, %add3A_485 : i32
        %get3A_487 = arith.index_cast %add3A_486 : i32 to index
        %get3A_488 = arith.constant 0 : index
        %get3A_489 = tpu.vector_load %arg7[%get3A_487, %get3A_488] {strides = array<i32>} : memref<800x32xf32, #tpu.memory_space<vmem>>, vector<1x16xf32>,
        %get3A_490 = vector.shape_cast %get3A_489 : vector<1x16xf32> to vector<16xf32>
        %add3A_491 = arith.addf %add3A_435, %get3A_490 : vector<16xf32>
        %add3A_492 = arith.constant 30 : i32
        %add3A_493 = arith.addi %mul3A_73, %add3A_492 : i32
        %get3A_494 = arith.index_cast %add3A_493 : i32 to index
        %get3A_495 = arith.constant 16 : index
        %get3A_496 = tpu.vector_load %arg7[%get3A_494, %get3A_495] {strides = array<i32>} : memref<800x32xf32, #tpu.memory_space<vmem>>, vector<1x16xf32>,
        %get3A_497 = vector.shape_cast %get3A_496 : vector<1x16xf32> to vector<16xf32>
        %add3A_498 = arith.addf %add3A_442, %get3A_497 : vector<16xf32>
        %add3A_499 = arith.constant 31 : i32
        %add3A_500 = arith.addi %mul3A_73, %add3A_499 : i32
        %get3A_501 = arith.index_cast %add3A_500 : i32 to index
        %get3A_502 = arith.constant 0 : index
        %get3A_503 = tpu.vector_load %arg7[%get3A_501, %get3A_502] {strides = array<i32>} : memref<800x32xf32, #tpu.memory_space<vmem>>, vector<1x16xf32>,
        %get3A_504 = vector.shape_cast %get3A_503 : vector<1x16xf32> to vector<16xf32>
        %add3A_505 = arith.addf %add3A_449, %get3A_504 : vector<16xf32>
        %add3A_506 = arith.constant 31 : i32
        %add3A_507 = arith.addi %mul3A_73, %add3A_506 : i32
        %get3A_508 = arith.index_cast %add3A_507 : i32 to index
        %get3A_509 = arith.constant 16 : index
        %get3A_510 = tpu.vector_load %arg7[%get3A_508, %get3A_509] {strides = array<i32>} : memref<800x32xf32, #tpu.memory_space<vmem>>, vector<1x16xf32>,
        %get3A_511 = vector.shape_cast %get3A_510 : vector<1x16xf32> to vector<16xf32>
        %add3A_512 = arith.addf %add3A_456, %get3A_511 : vector<16xf32>
        %add3A_513 = arith.constant 32 : i32
        %add3A_514 = arith.addi %mul3A_73, %add3A_513 : i32
        %get3A_515 = arith.index_cast %add3A_514 : i32 to index
        %get3A_516 = arith.constant 0 : index
        %get3A_517 = tpu.vector_load %arg7[%get3A_515, %get3A_516] {strides = array<i32>} : memref<800x32xf32, #tpu.memory_space<vmem>>, vector<1x16xf32>,
        %get3A_518 = vector.shape_cast %get3A_517 : vector<1x16xf32> to vector<16xf32>
        %add3A_519 = arith.addf %add3A_463, %get3A_518 : vector<16xf32>
        %add3A_520 = arith.constant 32 : i32
        %add3A_521 = arith.addi %mul3A_73, %add3A_520 : i32
        %get3A_522 = arith.index_cast %add3A_521 : i32 to index
        %get3A_523 = arith.constant 16 : index
        %get3A_524 = tpu.vector_load %arg7[%get3A_522, %get3A_523] {strides = array<i32>} : memref<800x32xf32, #tpu.memory_space<vmem>>, vector<1x16xf32>,
        %get3A_525 = vector.shape_cast %get3A_524 : vector<1x16xf32> to vector<16xf32>
        %add3A_526 = arith.addf %add3A_470, %get3A_525 : vector<16xf32>
        %add3A_527 = arith.constant 33 : i32
        %add3A_528 = arith.addi %mul3A_73, %add3A_527 : i32
        %get3A_529 = arith.index_cast %add3A_528 : i32 to index
        %get3A_530 = arith.constant 0 : index
        %get3A_531 = tpu.vector_load %arg7[%get3A_529, %get3A_530] {strides = array<i32>} : memref<800x32xf32, #tpu.memory_space<vmem>>, vector<1x16xf32>,
        %get3A_532 = vector.shape_cast %get3A_531 : vector<1x16xf32> to vector<16xf32>
        %add3A_533 = arith.addf %add3A_477, %get3A_532 : vector<16xf32>
        %add3A_534 = arith.constant 33 : i32
        %add3A_535 = arith.addi %mul3A_73, %add3A_534 : i32
        %get3A_536 = arith.index_cast %add3A_535 : i32 to index
        %get3A_537 = arith.constant 16 : index
        %get3A_538 = tpu.vector_load %arg7[%get3A_536, %get3A_537] {strides = array<i32>} : memref<800x32xf32, #tpu.memory_space<vmem>>, vector<1x16xf32>,
        %get3A_539 = vector.shape_cast %get3A_538 : vector<1x16xf32> to vector<16xf32>
        %add3A_540 = arith.addf %add3A_484, %get3A_539 : vector<16xf32>
        %add3A_541 = arith.constant 34 : i32
        %add3A_542 = arith.addi %mul3A_73, %add3A_541 : i32
        %get3A_543 = arith.index_cast %add3A_542 : i32 to index
        %get3A_544 = arith.constant 0 : index
        %get3A_545 = tpu.vector_load %arg7[%get3A_543, %get3A_544] {strides = array<i32>} : memref<800x32xf32, #tpu.memory_space<vmem>>, vector<1x16xf32>,
        %get3A_546 = vector.shape_cast %get3A_545 : vector<1x16xf32> to vector<16xf32>
        %add3A_547 = arith.addf %add3A_491, %get3A_546 : vector<16xf32>
        %add3A_548 = arith.constant 34 : i32
        %add3A_549 = arith.addi %mul3A_73, %add3A_548 : i32
        %get3A_550 = arith.index_cast %add3A_549 : i32 to index
        %get3A_551 = arith.constant 16 : index
        %get3A_552 = tpu.vector_load %arg7[%get3A_550, %get3A_551] {strides = array<i32>} : memref<800x32xf32, #tpu.memory_space<vmem>>, vector<1x16xf32>,
        %get3A_553 = vector.shape_cast %get3A_552 : vector<1x16xf32> to vector<16xf32>
        %add3A_554 = arith.addf %add3A_498, %get3A_553 : vector<16xf32>
        %add3A_555 = arith.constant 35 : i32
        %add3A_556 = arith.addi %mul3A_73, %add3A_555 : i32
        %get3A_557 = arith.index_cast %add3A_556 : i32 to index
        %get3A_558 = arith.constant 0 : index
        %get3A_559 = tpu.vector_load %arg7[%get3A_557, %get3A_558] {strides = array<i32>} : memref<800x32xf32, #tpu.memory_space<vmem>>, vector<1x16xf32>,
        %get3A_560 = vector.shape_cast %get3A_559 : vector<1x16xf32> to vector<16xf32>
        %add3A_561 = arith.addf %add3A_505, %get3A_560 : vector<16xf32>
        %add3A_562 = arith.constant 35 : i32
        %add3A_563 = arith.addi %mul3A_73, %add3A_562 : i32
        %get3A_564 = arith.index_cast %add3A_563 : i32 to index
        %get3A_565 = arith.constant 16 : index
        %get3A_566 = tpu.vector_load %arg7[%get3A_564, %get3A_565] {strides = array<i32>} : memref<800x32xf32, #tpu.memory_space<vmem>>, vector<1x16xf32>,
        %get3A_567 = vector.shape_cast %get3A_566 : vector<1x16xf32> to vector<16xf32>
        %add3A_568 = arith.addf %add3A_512, %get3A_567 : vector<16xf32>
        %add3A_569 = arith.constant 36 : i32
        %add3A_570 = arith.addi %mul3A_73, %add3A_569 : i32
        %get3A_571 = arith.index_cast %add3A_570 : i32 to index
        %get3A_572 = arith.constant 0 : index
        %get3A_573 = tpu.vector_load %arg7[%get3A_571, %get3A_572] {strides = array<i32>} : memref<800x32xf32, #tpu.memory_space<vmem>>, vector<1x16xf32>,
        %get3A_574 = vector.shape_cast %get3A_573 : vector<1x16xf32> to vector<16xf32>
        %add3A_575 = arith.addf %add3A_519, %get3A_574 : vector<16xf32>
        %add3A_576 = arith.constant 36 : i32
        %add3A_577 = arith.addi %mul3A_73, %add3A_576 : i32
        %get3A_578 = arith.index_cast %add3A_577 : i32 to index
        %get3A_579 = arith.constant 16 : index
        %get3A_580 = tpu.vector_load %arg7[%get3A_578, %get3A_579] {strides = array<i32>} : memref<800x32xf32, #tpu.memory_space<vmem>>, vector<1x16xf32>,
        %get3A_581 = vector.shape_cast %get3A_580 : vector<1x16xf32> to vector<16xf32>
        %add3A_582 = arith.addf %add3A_526, %get3A_581 : vector<16xf32>
        %add3A_583 = arith.constant 37 : i32
        %add3A_584 = arith.addi %mul3A_73, %add3A_583 : i32
        %get3A_585 = arith.index_cast %add3A_584 : i32 to index
        %get3A_586 = arith.constant 0 : index
        %get3A_587 = tpu.vector_load %arg7[%get3A_585, %get3A_586] {strides = array<i32>} : memref<800x32xf32, #tpu.memory_space<vmem>>, vector<1x16xf32>,
        %get3A_588 = vector.shape_cast %get3A_587 : vector<1x16xf32> to vector<16xf32>
        %add3A_589 = arith.addf %add3A_533, %get3A_588 : vector<16xf32>
        %add3A_590 = arith.constant 37 : i32
        %add3A_591 = arith.addi %mul3A_73, %add3A_590 : i32
        %get3A_592 = arith.index_cast %add3A_591 : i32 to index
        %get3A_593 = arith.constant 16 : index
        %get3A_594 = tpu.vector_load %arg7[%get3A_592, %get3A_593] {strides = array<i32>} : memref<800x32xf32, #tpu.memory_space<vmem>>, vector<1x16xf32>,
        %get3A_595 = vector.shape_cast %get3A_594 : vector<1x16xf32> to vector<16xf32>
        %add3A_596 = arith.addf %add3A_540, %get3A_595 : vector<16xf32>
        %add3A_597 = arith.constant 38 : i32
        %add3A_598 = arith.addi %mul3A_73, %add3A_597 : i32
        %get3A_599 = arith.index_cast %add3A_598 : i32 to index
        %get3A_600 = arith.constant 0 : index
        %get3A_601 = tpu.vector_load %arg7[%get3A_599, %get3A_600] {strides = array<i32>} : memref<800x32xf32, #tpu.memory_space<vmem>>, vector<1x16xf32>,
        %get3A_602 = vector.shape_cast %get3A_601 : vector<1x16xf32> to vector<16xf32>
        %add3A_603 = arith.addf %add3A_547, %get3A_602 : vector<16xf32>
        %add3A_604 = arith.constant 38 : i32
        %add3A_605 = arith.addi %mul3A_73, %add3A_604 : i32
        %get3A_606 = arith.index_cast %add3A_605 : i32 to index
        %get3A_607 = arith.constant 16 : index
        %get3A_608 = tpu.vector_load %arg7[%get3A_606, %get3A_607] {strides = array<i32>} : memref<800x32xf32, #tpu.memory_space<vmem>>, vector<1x16xf32>,
        %get3A_609 = vector.shape_cast %get3A_608 : vector<1x16xf32> to vector<16xf32>
        %add3A_610 = arith.addf %add3A_554, %get3A_609 : vector<16xf32>
        %add3A_611 = arith.constant 39 : i32
        %add3A_612 = arith.addi %mul3A_73, %add3A_611 : i32
        %get3A_613 = arith.index_cast %add3A_612 : i32 to index
        %get3A_614 = arith.constant 0 : index
        %get3A_615 = tpu.vector_load %arg7[%get3A_613, %get3A_614] {strides = array<i32>} : memref<800x32xf32, #tpu.memory_space<vmem>>, vector<1x16xf32>,
        %get3A_616 = vector.shape_cast %get3A_615 : vector<1x16xf32> to vector<16xf32>
        %add3A_617 = arith.addf %add3A_561, %get3A_616 : vector<16xf32>
        %add3A_618 = arith.constant 39 : i32
        %add3A_619 = arith.addi %mul3A_73, %add3A_618 : i32
        %get3A_620 = arith.index_cast %add3A_619 : i32 to index
        %get3A_621 = arith.constant 16 : index
        %get3A_622 = tpu.vector_load %arg7[%get3A_620, %get3A_621] {strides = array<i32>} : memref<800x32xf32, #tpu.memory_space<vmem>>, vector<1x16xf32>,
        %get3A_623 = vector.shape_cast %get3A_622 : vector<1x16xf32> to vector<16xf32>
        %add3A_624 = arith.addf %add3A_568, %get3A_623 : vector<16xf32>
        %add3A_625 = arith.constant 40 : i32
        %add3A_626 = arith.addi %mul3A_73, %add3A_625 : i32
        %get3A_627 = arith.index_cast %add3A_626 : i32 to index
        %get3A_628 = arith.constant 0 : index
        %get3A_629 = tpu.vector_load %arg7[%get3A_627, %get3A_628] {strides = array<i32>} : memref<800x32xf32, #tpu.memory_space<vmem>>, vector<1x16xf32>,
        %get3A_630 = vector.shape_cast %get3A_629 : vector<1x16xf32> to vector<16xf32>
        %add3A_631 = arith.addf %add3A_575, %get3A_630 : vector<16xf32>
        %add3A_632 = arith.constant 40 : i32
        %add3A_633 = arith.addi %mul3A_73, %add3A_632 : i32
        %get3A_634 = arith.index_cast %add3A_633 : i32 to index
        %get3A_635 = arith.constant 16 : index
        %get3A_636 = tpu.vector_load %arg7[%get3A_634, %get3A_635] {strides = array<i32>} : memref<800x32xf32, #tpu.memory_space<vmem>>, vector<1x16xf32>,
        %get3A_637 = vector.shape_cast %get3A_636 : vector<1x16xf32> to vector<16xf32>
        %add3A_638 = arith.addf %add3A_582, %get3A_637 : vector<16xf32>
        %add3A_639 = arith.constant 41 : i32
        %add3A_640 = arith.addi %mul3A_73, %add3A_639 : i32
        %get3A_641 = arith.index_cast %add3A_640 : i32 to index
        %get3A_642 = arith.constant 0 : index
        %get3A_643 = tpu.vector_load %arg7[%get3A_641, %get3A_642] {strides = array<i32>} : memref<800x32xf32, #tpu.memory_space<vmem>>, vector<1x16xf32>,
        %get3A_644 = vector.shape_cast %get3A_643 : vector<1x16xf32> to vector<16xf32>
        %add3A_645 = arith.addf %add3A_589, %get3A_644 : vector<16xf32>
        %add3A_646 = arith.constant 41 : i32
        %add3A_647 = arith.addi %mul3A_73, %add3A_646 : i32
        %get3A_648 = arith.index_cast %add3A_647 : i32 to index
        %get3A_649 = arith.constant 16 : index
        %get3A_650 = tpu.vector_load %arg7[%get3A_648, %get3A_649] {strides = array<i32>} : memref<800x32xf32, #tpu.memory_space<vmem>>, vector<1x16xf32>,
        %get3A_651 = vector.shape_cast %get3A_650 : vector<1x16xf32> to vector<16xf32>
        %add3A_652 = arith.addf %add3A_596, %get3A_651 : vector<16xf32>
        %add3A_653 = arith.constant 42 : i32
        %add3A_654 = arith.addi %mul3A_73, %add3A_653 : i32
        %get3A_655 = arith.index_cast %add3A_654 : i32 to index
        %get3A_656 = arith.constant 0 : index
        %get3A_657 = tpu.vector_load %arg7[%get3A_655, %get3A_656] {strides = array<i32>} : memref<800x32xf32, #tpu.memory_space<vmem>>, vector<1x16xf32>,
        %get3A_658 = vector.shape_cast %get3A_657 : vector<1x16xf32> to vector<16xf32>
        %add3A_659 = arith.addf %add3A_603, %get3A_658 : vector<16xf32>
        %add3A_660 = arith.constant 42 : i32
        %add3A_661 = arith.addi %mul3A_73, %add3A_660 : i32
        %get3A_662 = arith.index_cast %add3A_661 : i32 to index
        %get3A_663 = arith.constant 16 : index
        %get3A_664 = tpu.vector_load %arg7[%get3A_662, %get3A_663] {strides = array<i32>} : memref<800x32xf32, #tpu.memory_space<vmem>>, vector<1x16xf32>,
        %get3A_665 = vector.shape_cast %get3A_664 : vector<1x16xf32> to vector<16xf32>
        %add3A_666 = arith.addf %add3A_610, %get3A_665 : vector<16xf32>
        %add3A_667 = arith.constant 43 : i32
        %add3A_668 = arith.addi %mul3A_73, %add3A_667 : i32
        %get3A_669 = arith.index_cast %add3A_668 : i32 to index
        %get3A_670 = arith.constant 0 : index
        %get3A_671 = tpu.vector_load %arg7[%get3A_669, %get3A_670] {strides = array<i32>} : memref<800x32xf32, #tpu.memory_space<vmem>>, vector<1x16xf32>,
        %get3A_672 = vector.shape_cast %get3A_671 : vector<1x16xf32> to vector<16xf32>
        %add3A_673 = arith.addf %add3A_617, %get3A_672 : vector<16xf32>
        %add3A_674 = arith.constant 43 : i32
        %add3A_675 = arith.addi %mul3A_73, %add3A_674 : i32
        %get3A_676 = arith.index_cast %add3A_675 : i32 to index
        %get3A_677 = arith.constant 16 : index
        %get3A_678 = tpu.vector_load %arg7[%get3A_676, %get3A_677] {strides = array<i32>} : memref<800x32xf32, #tpu.memory_space<vmem>>, vector<1x16xf32>,
        %get3A_679 = vector.shape_cast %get3A_678 : vector<1x16xf32> to vector<16xf32>
        %add3A_680 = arith.addf %add3A_624, %get3A_679 : vector<16xf32>
        %add3A_681 = arith.constant 44 : i32
        %add3A_682 = arith.addi %mul3A_73, %add3A_681 : i32
        %get3A_683 = arith.index_cast %add3A_682 : i32 to index
        %get3A_684 = arith.constant 0 : index
        %get3A_685 = tpu.vector_load %arg7[%get3A_683, %get3A_684] {strides = array<i32>} : memref<800x32xf32, #tpu.memory_space<vmem>>, vector<1x16xf32>,
        %get3A_686 = vector.shape_cast %get3A_685 : vector<1x16xf32> to vector<16xf32>
        %add3A_687 = arith.addf %add3A_631, %get3A_686 : vector<16xf32>
        %add3A_688 = arith.constant 44 : i32
        %add3A_689 = arith.addi %mul3A_73, %add3A_688 : i32
        %get3A_690 = arith.index_cast %add3A_689 : i32 to index
        %get3A_691 = arith.constant 16 : index
        %get3A_692 = tpu.vector_load %arg7[%get3A_690, %get3A_691] {strides = array<i32>} : memref<800x32xf32, #tpu.memory_space<vmem>>, vector<1x16xf32>,
        %get3A_693 = vector.shape_cast %get3A_692 : vector<1x16xf32> to vector<16xf32>
        %add3A_694 = arith.addf %add3A_638, %get3A_693 : vector<16xf32>
        %add3A_695 = arith.constant 45 : i32
        %add3A_696 = arith.addi %mul3A_73, %add3A_695 : i32
        %get3A_697 = arith.index_cast %add3A_696 : i32 to index
        %get3A_698 = arith.constant 0 : index
        %get3A_699 = tpu.vector_load %arg7[%get3A_697, %get3A_698] {strides = array<i32>} : memref<800x32xf32, #tpu.memory_space<vmem>>, vector<1x16xf32>,
        %get3A_700 = vector.shape_cast %get3A_699 : vector<1x16xf32> to vector<16xf32>
        %add3A_701 = arith.addf %add3A_645, %get3A_700 : vector<16xf32>
        %add3A_702 = arith.constant 45 : i32
        %add3A_703 = arith.addi %mul3A_73, %add3A_702 : i32
        %get3A_704 = arith.index_cast %add3A_703 : i32 to index
        %get3A_705 = arith.constant 16 : index
        %get3A_706 = tpu.vector_load %arg7[%get3A_704, %get3A_705] {strides = array<i32>} : memref<800x32xf32, #tpu.memory_space<vmem>>, vector<1x16xf32>,
        %get3A_707 = vector.shape_cast %get3A_706 : vector<1x16xf32> to vector<16xf32>
        %add3A_708 = arith.addf %add3A_652, %get3A_707 : vector<16xf32>
        %add3A_709 = arith.constant 46 : i32
        %add3A_710 = arith.addi %mul3A_73, %add3A_709 : i32
        %get3A_711 = arith.index_cast %add3A_710 : i32 to index
        %get3A_712 = arith.constant 0 : index
        %get3A_713 = tpu.vector_load %arg7[%get3A_711, %get3A_712] {strides = array<i32>} : memref<800x32xf32, #tpu.memory_space<vmem>>, vector<1x16xf32>,
        %get3A_714 = vector.shape_cast %get3A_713 : vector<1x16xf32> to vector<16xf32>
        %add3A_715 = arith.addf %add3A_659, %get3A_714 : vector<16xf32>
        %add3A_716 = arith.constant 46 : i32
        %add3A_717 = arith.addi %mul3A_73, %add3A_716 : i32
        %get3A_718 = arith.index_cast %add3A_717 : i32 to index
        %get3A_719 = arith.constant 16 : index
        %get3A_720 = tpu.vector_load %arg7[%get3A_718, %get3A_719] {strides = array<i32>} : memref<800x32xf32, #tpu.memory_space<vmem>>, vector<1x16xf32>,
        %get3A_721 = vector.shape_cast %get3A_720 : vector<1x16xf32> to vector<16xf32>
        %add3A_722 = arith.addf %add3A_666, %get3A_721 : vector<16xf32>
        %add3A_723 = arith.constant 47 : i32
        %add3A_724 = arith.addi %mul3A_73, %add3A_723 : i32
        %get3A_725 = arith.index_cast %add3A_724 : i32 to index
        %get3A_726 = arith.constant 0 : index
        %get3A_727 = tpu.vector_load %arg7[%get3A_725, %get3A_726] {strides = array<i32>} : memref<800x32xf32, #tpu.memory_space<vmem>>, vector<1x16xf32>,
        %get3A_728 = vector.shape_cast %get3A_727 : vector<1x16xf32> to vector<16xf32>
        %add3A_729 = arith.addf %add3A_673, %get3A_728 : vector<16xf32>
        %add3A_730 = arith.constant 47 : i32
        %add3A_731 = arith.addi %mul3A_73, %add3A_730 : i32
        %get3A_732 = arith.index_cast %add3A_731 : i32 to index
        %get3A_733 = arith.constant 16 : index
        %get3A_734 = tpu.vector_load %arg7[%get3A_732, %get3A_733] {strides = array<i32>} : memref<800x32xf32, #tpu.memory_space<vmem>>, vector<1x16xf32>,
        %get3A_735 = vector.shape_cast %get3A_734 : vector<1x16xf32> to vector<16xf32>
        %add3A_736 = arith.addf %add3A_680, %get3A_735 : vector<16xf32>
        %add3A_737 = arith.constant 48 : i32
        %add3A_738 = arith.addi %mul3A_73, %add3A_737 : i32
        %get3A_739 = arith.index_cast %add3A_738 : i32 to index
        %get3A_740 = arith.constant 0 : index
        %get3A_741 = tpu.vector_load %arg7[%get3A_739, %get3A_740] {strides = array<i32>} : memref<800x32xf32, #tpu.memory_space<vmem>>, vector<1x16xf32>,
        %get3A_742 = vector.shape_cast %get3A_741 : vector<1x16xf32> to vector<16xf32>
        %add3A_743 = arith.addf %add3A_687, %get3A_742 : vector<16xf32>
        %add3A_744 = arith.constant 48 : i32
        %add3A_745 = arith.addi %mul3A_73, %add3A_744 : i32
        %get3A_746 = arith.index_cast %add3A_745 : i32 to index
        %get3A_747 = arith.constant 16 : index
        %get3A_748 = tpu.vector_load %arg7[%get3A_746, %get3A_747] {strides = array<i32>} : memref<800x32xf32, #tpu.memory_space<vmem>>, vector<1x16xf32>,
        %get3A_749 = vector.shape_cast %get3A_748 : vector<1x16xf32> to vector<16xf32>
        %add3A_750 = arith.addf %add3A_694, %get3A_749 : vector<16xf32>
        %add3A_751 = arith.constant 49 : i32
        %add3A_752 = arith.addi %mul3A_73, %add3A_751 : i32
        %get3A_753 = arith.index_cast %add3A_752 : i32 to index
        %get3A_754 = arith.constant 0 : index
        %get3A_755 = tpu.vector_load %arg7[%get3A_753, %get3A_754] {strides = array<i32>} : memref<800x32xf32, #tpu.memory_space<vmem>>, vector<1x16xf32>,
        %get3A_756 = vector.shape_cast %get3A_755 : vector<1x16xf32> to vector<16xf32>
        %add3A_757 = arith.addf %add3A_701, %get3A_756 : vector<16xf32>
        %add3A_758 = arith.constant 49 : i32
        %add3A_759 = arith.addi %mul3A_73, %add3A_758 : i32
        %get3A_760 = arith.index_cast %add3A_759 : i32 to index
        %get3A_761 = arith.constant 16 : index
        %get3A_762 = tpu.vector_load %arg7[%get3A_760, %get3A_761] {strides = array<i32>} : memref<800x32xf32, #tpu.memory_space<vmem>>, vector<1x16xf32>,
        %get3A_763 = vector.shape_cast %get3A_762 : vector<1x16xf32> to vector<16xf32>
        %add3A_764 = arith.addf %add3A_708, %get3A_763 : vector<16xf32>
        %add3A_765 = arith.addf %add3A_743, %add3A_757 : vector<16xf32>
        %add3A_766 = arith.addf %add3A_715, %add3A_729 : vector<16xf32>
        %add3A_767 = arith.addf %add3A_765, %add3A_766 : vector<16xf32>
        %mul3A_768 = vector.broadcast %scan3A_9 : f32 to vector<16xf32>
        %mul3A_769 = arith.mulf %add3A_767, %mul3A_768 : vector<16xf32>
        %swap3A = arith.index_cast %scan3A_70 : i32 to index
        %swap3A_770 = arith.constant 0 : index
        %swap3A_771 = tpu.vector_load %arg8[%swap3A, %swap3A_770] {strides = array<i32>} : memref<16x32xf32, #tpu.memory_space<vmem>>, vector<1x16xf32>,
        %swap3A_772 = vector.shape_cast %swap3A_771 : vector<1x16xf32> to vector<16xf32>
        %swap3A_773 = vector.shape_cast %mul3A_769 : vector<16xf32> to vector<1x16xf32>
        tpu.vector_store %arg8[%swap3A, %swap3A_770], %swap3A_773 {strides = array<i32>} : memref<16x32xf32, #tpu.memory_space<vmem>>, vector<1x16xf32>,
        %add3A_774 = arith.addf %add3A_750, %add3A_764 : vector<16xf32>
        %add3A_775 = arith.addf %add3A_722, %add3A_736 : vector<16xf32>
        %add3A_776 = arith.addf %add3A_774, %add3A_775 : vector<16xf32>
        %mul3A_777 = vector.broadcast %scan3A_9 : f32 to vector<16xf32>
        %mul3A_778 = arith.mulf %add3A_776, %mul3A_777 : vector<16xf32>
        %swap3A_779 = arith.index_cast %scan3A_70 : i32 to index
        %swap3A_780 = arith.constant 16 : index
        %swap3A_781 = tpu.vector_load %arg8[%swap3A_779, %swap3A_780] {strides = array<i32>} : memref<16x32xf32, #tpu.memory_space<vmem>>, vector<1x16xf32>,
        %swap3A_782 = vector.shape_cast %swap3A_781 : vector<1x16xf32> to vector<16xf32>
        %swap3A_783 = vector.shape_cast %mul3A_778 : vector<16xf32> to vector<1x16xf32>
        tpu.vector_store %arg8[%swap3A_779, %swap3A_780], %swap3A_783 {strides = array<i32>} : memref<16x32xf32, #tpu.memory_space<vmem>>, vector<1x16xf32>,
        %scan3A_784 = arith.constant 0 : i32
        scf.yield %scan3A_784 : i32
      }
      %scan3A_63 = arith.constant 16 : i32
      %mul3A_64 = arith.constant 512 : i32
      %mul3A_65 = arith.muli %add3A, %mul3A_64 : i32
      %mul3A_66 = arith.constant 16 : i32
      %mul3A_67 = arith.muli %add3A_56, %mul3A_66 : i32
      %add3A_68 = arith.addi %mul3A_65, %mul3A_67 : i32
      "tpu.region"() ({
        %run_scoped3A = tpu.sem_alloc : memref<!tpu.dma_semaphore, #tpu.memory_space<semaphore_mem>>
        %dma_start3A = arith.constant 0 : i32
        %dma_start3A_70 = tpu.memref_slice %arg4[%add3A_68, %dma_start3A] : memref<16384x32xf32, #tpu.memory_space<hbm>> -> memref<16x32xf32, #tpu.memory_space<hbm>>
        %dma_start3A_71 = arith.constant 0 : i32
        %dma_start3A_72 = tpu.memref_slice %arg4[%add3A_68, %dma_start3A_71] : memref<16384x32xf32, #tpu.memory_space<hbm>> -> memref<16x32xf32, #tpu.memory_space<hbm>>
        tpu.enqueue_dma source(%arg8 : memref<16x32xf32, #tpu.memory_space<vmem>>) target(%dma_start3A_72 : memref<16x32xf32, #tpu.memory_space<hbm>>) target_semaphore(%run_scoped3A : memref<!tpu.dma_semaphore, #tpu.memory_space<semaphore_mem>>)
        %dma_wait3A_73 = arith.constant 0 : i32
        %dma_wait3A_74 = tpu.memref_slice %arg4[%add3A_68, %dma_wait3A_73] : memref<16384x32xf32, #tpu.memory_space<hbm>> -> memref<16x32xf32, #tpu.memory_space<hbm>>
        %dma_wait3A_75 = arith.constant 0 : i32
        %dma_wait3A_76 = tpu.memref_slice %arg4[%add3A_68, %dma_wait3A_75] : memref<16384x32xf32, #tpu.memory_space<hbm>> -> memref<16x32xf32, #tpu.memory_space<hbm>>
        tpu.wait_dma2 semaphore(%run_scoped3A : memref<!tpu.dma_semaphore, #tpu.memory_space<semaphore_mem>>) src(%arg8 : memref<16x32xf32, #tpu.memory_space<vmem>>) dst(%dma_wait3A_76 : memref<16x32xf32, #tpu.memory_space<hbm>>)
        tpu.yield
      }) : () -> ()
      %scan3A_69 = arith.constant 0 : i32
      scf.yield %scan3A_69 : i32
    }
    %scan3A_16 = arith.constant 16 : i32
    return
  }
}

</mosaic_0001>

<sc_bundles>
// kernel: kernel.3.cloned.1.call-start
scs
__scs_entry_jumppad:
0x0: {  	(pc) =	sbr.rel $0x88, $3  }
0x1: {  	(tag) =	ssettag $0x0;
	lr =	simm.s32 $0x1  }
0x2: {  	[smem:$0x3F9F] =	sst lr;
	_ =	strace $0xD0000000  }
0x3: {  	_ = 	snop  }
0x4: {  	_ = 	snop  }
0x5: {  	_ = 	snop  }
0x6: {  	_ = 	snop  }
0x7: {  	_ = 	snop  }
__scs_overlays_trampoline_lowered:
0x8: {  	[smem:$0x3FAE] =	sst s0  }
0x9: {  	[smem:$0x3FAF] =	sst s1  }
0xa: {  	[smem:$0x3FB0] =	sst s2  }
0xb: {  	[smem:$0x3FB1] =	sst s3  }
0xc: {  	[smem:$0x3FB2] =	sst s4  }
0xd: {  	[smem:$0x3FB3] =	sst s5  }
0xe: {  	[smem:$0x3FB4] =	sst s6  }
0xf: {  	[smem:$0x3FB5] =	sst s7  }
0x10: {  	[smem:$0x3FB6] =	sst s8  }
0x11: {  	[smem:$0x3FB7] =	sst s9;
	s0 =	simm.s32 @!p0 $0x0  }
0x12: {  	s1 =	sld [smem:$0x3F9D];
	s0 =	simm.s32 @p0 $0x1  }
0x13: {  	[smem:$0x3FB8] =	sst s0;
	s0 =	simm.s32 @!p1 $0x0  }
0x14: {  	s2 =	sld [smem:$0x3F9C];
	s0 =	simm.s32 @p1 $0x1  }
0x15: {  	[smem:$0x3FB9] =	sst s0;
	s0 =	simm.s32 @!p2 $0x0  }
0x16: {  	s3 =	sld [smem:$0x3FDB];
	s0 =	simm.s32 @p2 $0x1  }
0x17: {  	s4 =	simm.s32 $0x1BF5;
	[smem:$0x3FBB] =	sst s0  }
0x18: {  	s0 =	sld [smem:$0x3F9E];
	_ =	swait.ge [sflag:s4], $0x0  }
0x19: {  	s7 =	sld [smem:$0x3F9F]  }
0x1a: {  	s8 =	sadd.s32 $0xFFFFE003, lr  }
0x1b: {  	s9 =	sadd.s32 $0xFFFFFEF7, lr;
	s5 =	simm.s32 $0xFFFFFFFF;
	p2 =	slt.u32 s8, $0xFFFFF086  }
0x1c: {  	p1 =	slt.u32 s9, $0xF7A;
	s5 =	simm.s32 @!p2 $0x0  }
0x1d: {  	s5 =	simm.s32 @p1 $0x1;
	p0 =	seq.s32 s7, s2  }
0x1e: {  	s7 =	smul.u32 @!p0 $0xF7A, s2;
	p2 =	seq.s32 @!p0 s5, $0x0  }
0x1f: {  	s9 =	smul.u32 $0xF7A, s1;
	s8 =	simm.s32 @!p0 $0x1BF5;
	p2 =	por !p2, p0  }
0x20: {  	[sflag:s8] =	ssyncset.s32 @!p0 $0xFFFFF086;
	s6 =	sadd.s32 @!p0 s3, s7;
	s7 =	simm.s32 @!p0 $0x108  }
0x21: {  	s3 =	sadd.s32 s3, s9;
	s6 =	sadd.s32 @!p0 $0x88, s6;
	s7 =	simm.s32 @p2 $0x1082  }
0x22: {  	[simem:s7], [sflag:s8] =	dma.local @!p0 [hbm:s6], $0xF7A  }
0x23: {  	s9 =	sor.u32 $0xD0000000, s2;
	s6 =	simm.s32 $0x108;
	_ =	swait.ge @!p0 [sflag:s8], $0x0  }
0x24: {  	s3 =	sadd.s32 $0x88, s3;
	s6 =	simm.s32 @!p1 $0x1082;
	[sflag:s4] =	ssyncset.s32 $0xFFFFF086  }
0x25: {  	[simem:s6], [sflag:s4] =	dma.local [hbm:s3], $0xF7A  }
0x26: {  	[smem:$0x3F9F] =	sst s1;
	(tag) =	ssettag s2;
	_ =	strace s9  }
0x27: {  	s1 =	sld [smem:$0x3FAF]  }
0x28: {  	s2 =	sld [smem:$0x3FB0]  }
0x29: {  	s4 =	sld [smem:$0x3FB2]  }
0x2a: {  	p0 =	seq.s32 s5, $0x0;
	s5 =	sld [smem:$0x3FB3]  }
0x2b: {  	s6 =	sld [smem:$0x3FB4]  }
0x2c: {  	s7 =	sld [smem:$0x3FB5]  }
0x2d: {  	s3 =	simm.s32 $0x108;
	s8 =	sld [smem:$0x3FB6]  }
0x2e: {  	s3 =	simm.s32 @!p0 $0x1082;
	s9 =	sld [smem:$0x3FB7]  }
0x2f: {  	lr =	sadd.s32 s0, s3;
	s0 =	sld [smem:$0x3FAE]  }
0x30: {  	s3 =	sld [smem:$0x3FB1]  }
0x31: {  	[smem:$0x3FBA] =	sst s10  }
0x32: {  	s10 =	sld [smem:$0x3FB8];
	_ =	sdelay $0x3  }
0x33: {  	p0 =	seq.s32 s10, $0x1;
	s10 =	sld [smem:$0x3FBA];
	_ =	sdelay $0x3  }
0x34: {  	[smem:$0x3FBA] =	sst s10  }
0x35: {  	s10 =	sld [smem:$0x3FB9];
	_ =	sdelay $0x3  }
0x36: {  	p1 =	seq.s32 s10, $0x1;
	s10 =	sld [smem:$0x3FBA];
	_ =	sdelay $0x3  }
0x37: {  	[smem:$0x3FBA] =	sst s10  }
0x38: {  	s10 =	sld [smem:$0x3FBB]  }
0x39: {  	_ = 	snop;
	(pc) =	sbr.ind lr, $3  }
0x3a: {  	_ = 	snop  }
0x3b: {  	_ = 	snop  }
0x3c: {  	p2 =	seq.s32 s10, $0x1;
	s10 =	sld [smem:$0x3FBA]  }
0x3d: {  	_ =	shalt  }
0x3e: {  	_ =	shalt  }
0x3f: {  	_ =	shalt  }
0x40: {  	_ =	shalt  }
0x41: {  	_ =	shalt  }
0x42: {  	_ =	shalt  }
0x43: {  	_ =	shalt  }
0x44: {  	_ =	shalt  }
0x45: {  	_ =	shalt  }
0x46: {  	_ =	shalt  }
0x47: {  	_ =	shalt  }
0x48: {  	_ =	shalt  }
0x49: {  	_ =	shalt  }
0x4a: {  	_ =	shalt  }
0x4b: {  	_ =	shalt  }
0x4c: {  	_ =	shalt  }
0x4d: {  	_ =	shalt  }
0x4e: {  	_ =	shalt  }
0x4f: {  	_ =	shalt  }
0x50: {  	_ =	shalt  }
0x51: {  	_ =	shalt  }
0x52: {  	_ =	shalt  }
0x53: {  	_ =	shalt  }
0x54: {  	_ =	shalt  }
0x55: {  	_ =	shalt  }
0x56: {  	_ =	shalt  }
0x57: {  	_ =	shalt  }
0x58: {  	_ =	shalt  }
0x59: {  	_ =	shalt  }
0x5a: {  	_ =	shalt  }
0x5b: {  	_ =	shalt  }
0x5c: {  	_ =	shalt  }
0x5d: {  	_ =	shalt  }
0x5e: {  	_ =	shalt  }
0x5f: {  	_ =	shalt  }
0x60: {  	_ =	shalt  }
0x61: {  	_ =	shalt  }
0x62: {  	_ =	shalt  }
0x63: {  	_ =	shalt  }
0x64: {  	_ =	shalt  }
0x65: {  	_ =	shalt  }
0x66: {  	_ =	shalt  }
0x67: {  	_ =	shalt  }
0x68: {  	_ =	shalt  }
0x69: {  	_ =	shalt  }
0x6a: {  	_ =	shalt  }
0x6b: {  	_ =	shalt  }
0x6c: {  	_ =	shalt  }
0x6d: {  	_ =	shalt  }
0x6e: {  	_ =	shalt  }
0x6f: {  	_ =	shalt  }
0x70: {  	_ =	shalt  }
0x71: {  	_ =	shalt  }
0x72: {  	_ =	shalt  }
0x73: {  	_ =	shalt  }
0x74: {  	_ =	shalt  }
0x75: {  	_ =	shalt  }
0x76: {  	_ =	shalt  }
0x77: {  	_ =	shalt  }
0x78: {  	_ =	shalt  }
0x79: {  	_ =	shalt  }
0x7a: {  	_ =	shalt  }
0x7b: {  	_ =	shalt  }
0x7c: {  	_ =	shalt  }
0x7d: {  	_ =	shalt  }
0x7e: {  	_ =	shalt  }
0x7f: {  	_ =	shalt  }
0x80: {  	_ =	shalt  }
0x81: {  	_ =	shalt  }
0x82: {  	_ =	shalt  }
0x83: {  	_ =	shalt  }
0x84: {  	_ =	shalt  }
0x85: {  	_ =	shalt  }
0x86: {  	_ =	shalt  }
0x87: {  	_ =	shalt  }
.Lfunc_end0:
.L_simem_size_0:
called_computation_lowered:
.L_overlay_start_0:
0x88: {  	s2 =	sld [smem:$0x3FD9]  }
0x89: {  	s3 =	sld [smem:$0x3FFE];
	_ =	sdelay $0x1  }
0x8a: {  	s1 =	srdreg.scid  }
0x8b: {  	s0 =	sand.u32 $0x1, s1  }
0x8c: {  	s17 =	sshll.u32 s0, $0xA;
	s2 =	sadd.s32 s3, s2  }
0x8d: {  	s2 =	sadd.s32 s2, s17  }
0x8e: {  	[smem:$0x3FC6] =	sst s2  }
0x8f: {  	_ = 	snop  }
0x90: {  	s2 =	sld [smem:$0x3FD0];
	(tm) =	ssettm $0x1  }
0x91: {  	s18 =	sld [smem:$0x3FFB];
	_ =	sdelay $0x3  }
0x92: {  	_ =	strace s18  }
0x93: {  	s3 =	sld [smem:$0x3FFC];
	_ =	sdelay $0x3  }
0x94: {  	_ =	strace s3  }
0x95: {  	s3 =	sld [smem:$0x3FFD];
	_ =	sdelay $0x3  }
0x96: {  	_ =	strace s3  }
0x97: {  	_ =	strace $0x8FFFFFFF  }
0x98: {  	s19 =	sld [smem:$0x3FDB];
	_ =	sdelay $0x1  }
0x99: {  	s4 =	simm.s32 $_scs_section_size  }
0x9a: {  	s5 =	simm.s32 $_size__tile_overlayer_lowered;
	s6 =	simm.s32 $_tile_overlayer_lowered  }
0x9b: {  	s22 =	simm.s32 $0x1BFF;
	s21 =	sshll.u32 s6, $0x1;
	s3 =	sadd.s32 s4, s19  }
0x9c: {  	s7 =	simm.s32 $0x0;
	s20 =	sshll.u32 s5, $0x1;
	s5 =	sadd.s32 s21, s3  }
0x9d: {  	[timem:s7], [sflag:s22] =	dma.local [hbm:s5], s20  }
0x9e: {  	_ =	swait.ge [sflag:s22], s20  }
0x9f: {  	s4 =	ssub.s32 $0x0, s20;
	[sflag:s22] =	ssyncset.done $0x0  }
0xa0: {  	[sflag:s22] =	ssyncadd.s32 s4;
	_ =	sdelay $0x1  }
0xa1: {  	s23 =	simm.s32 $0x1B8B  }
0xa2: {  	_ =	swait.ge [sflag:s23], $0x1  }
0xa3: {  	[sflag:s23] =	ssyncset.done $0x0  }
0xa4: {  	s25 =	simm.s32 $0x1B8E;
	s24 =	sld [smem:$0x3FFE];
	[sflag:s23] =	ssyncadd.s32 $0xFFFFFFFF  }
0xa5: {  	s26 =	simm.s32 $execute0_lowered;
	[smem:$0x3FD2] =	sst s25  }
0xa6: {  	s5 =	sshll.u32 s26, $0x1;
	_ =	strace $0x80000046;
	[dreg:$0x1] =	wrdreg $0xFFFFFFFF  }
0xa7: {  	s28 =	simm.s32 $_size_execute0_lowered;
	s3 =	sadd.s32 s3, s5;
	[dreg:$0x0] =	wrdreg $0x0  }
0xa8: {  	s5 =	sshll.u32 s28, $0x1;
	[dreg:$0x2] =	wrdreg s3  }
0xa9: {  	[dreg:$0x3] =	wrdreg s5  }
0xaa: {  	[dreg:$0x4] =	wrdreg $0xC0  }
0xab: {  	_ =	task [dreg:s7], $0x5FFFF  }
0xac: {  	[dreg:$0x1] =	wrdreg $0xFFFFFFFF  }
0xad: {  	[dreg:$0x0] =	wrdreg $0x60  }
0xae: {  	[dreg:$0x2] =	wrdreg s24  }
0xaf: {  	[dreg:$0x3] =	wrdreg s2  }
0xb0: {  	[dreg:$0x4] =	wrdreg $0x9  }
0xb1: {  	_ =	task.clear_ibuf [dreg:s7], $0x5FFFF;
	_ =	strace $0x90000046  }
0xb2: {  	s29 =	simm.s32 $0x9;
	_ =	strace $0x80000048  }
0xb3: {  	_ =	swait.ge [sflag:s29], $0x1  }
0xb4: {  	[sflag:s29] =	ssyncadd.s32 $0xFFFFFFFF  }
0xb5: {  	_ =	strace $0x90000048  }
0xb6: {  	_ =	sfence  }
0xb7: {  	s30 =	sld [smem:$0x0];
	_ =	sdelay $0x2  }
0xb8: {  	s31 =	sshll.u32 s1, $0xD;
	s1 =	sshrl.u32 s1, $0x2  }
0xb9: {  	s3 =	sand.u32 $0x4000, s31;
	s1 =	sadd.s32 s1, s30  }
0xba: {  	s0 =	sor.u32 s3, s0;
	s1 =	sshll.u32 s1, $0x11  }
0xbb: {  	s0 =	sor.u32 s1, s0  }
0xbc: {  	s0 =	sadd.s32 $0x8F2B, s0  }
0xbd: {  	[sflag:s0] =	ssyncadd.remote.s32 $0x1  }
0xbe: {  	_ =	sfence.sel $0xFFFF  }
0xbf: {  	[dreg:$0x0] =	wrdreg $0xFFFFFFFF;
	(pc) =	sbr.abs _section_cstart, $3  }
0xc0: {  	[dreg:$0x1] =	wrdreg $0xFFFFFFFF  }
0xc1: {  	_ =	task.clear_ibuf [dreg:s7], $0x2FFFF;
	_ =	strace $0x9FFFFFFF  }
0xc2: {  	(tm) =	ssettm $0x7FFFFFFF  }
0xc3: {  	_ =	shalt  }
tec
execute0_lowered:
.L_overlay_start_1:
0x0: {  	(tag) =	ssettag $0x1  }
0x1: {  	s0 =	srdreg.scid  }
0x2: {  	s1 =	rddreg [dreg:$0x0];
	s2 =	stileid.u32  }
0x3: {  	s5 =	rddreg [dreg:$0x1];
	s8 =	simm.s32 $0x32;
	s16 =	simm.s32 $0xD400  }
0x4: {  	s17 =	simm.s32 $0xDA40;
	s18 =	simm.s32 $0xE080;
	s19 =	simm.s32 $0xE6C0  }
0x5: {  	s20 =	simm.s32 $0xED00;
	s21 =	simm.s32 $0xF340;
	s22 =	simm.s32 $0xF980  }
0x6: {  	s23 =	simm.s32 $0xFFC0;
	s24 =	simm.s32 $0x10600;
	s25 =	simm.s32 $0x10C40  }
0x7: {  	s28 =	simm.s32 $0x118C0;
	s29 =	simm.s32 $0x11F00;
	s30 =	simm.s32 $0x12540  }
0x8: {  	s31 =	simm.s32 $0x12B80;
	s9 =	simm.s32 $0x13800;
	s10 =	simm.s32 $0x2  }
0x9: {  	s0 =	sand.u32 $0x1, s0;
	s3 =	sshll.u32 s2, $0xA;
	s2 =	simm.s32 $0x0  }
0xa: {  	s11 =	simm.s32 $0x0;
	s4 =	sshll.u32 s0, $0x9;
	[smem:$0x7FF] =	sst s2  }
0xb: {  	s0 =	ssub.s32 $0x2, s0;
	s4 =	sor.u32 s4, s3;
	_ =	strace $0x80000047  }
0xc: {  	s3 =	sadd.s32 $0xF42A00, s1;
	s26 =	sshrl.u32 s0, $0x1;
	s6 =	smul.u32 $0x7, s4  }
0xd: {  	s7 =	sshll.u32 s4, $0x2;
	s0 =	ssub.s32 s0, s26;
	s26 =	simm.s32 $0x11280  }
0xe: {  	s5 =	sadd.s32 s5, s7;
	s0 =	smax.u32 s0, $0x1;
	s1 =	sadd.s32 s6, s1  }
0xf: {  	s7 =	simm.s32 $0x3;
	[dreg:$0x4] =	wrdreg s0;
	s1 =	sadd.s32 $0x600, s1  }
0x10: {  	s0 =	simm.s32 $0x1;
	[dreg:$0x3] =	wrdreg s1;
	s1 =	simm.s32 $0x131C0  }
.LBB2_1:
0x11: {  	s4 =	rddreg [dreg:$0x3]  }
0x12: {  	[tilespmem:s2], [sflag:$0x3] =	stream.linear.gather [hbm4b:s4+s2], $0x7000, $0x38;
	[tilespmem:$0x13A00] =	vst v63  }
0x13: {  	_ =	swait.ge [sflag:s7], $0x7000  }
0x14: {  	[sflag:s7] =	ssyncset.done $0x0  }
0x15: {  	s14 =	simm.s32 $0x7000;
	[sflag:s7] =	ssyncadd.s32 $0xFFFF9000  }
0x16: {  	[tilespmem:s14], [sflag:$0x1] =	stream.indirect.gather [hbm4b:s3+s8], $0x20, s2, s8, $0xb8;
	[tilespmem:$0x13A00] =	vst v63  }
0x17: {  	s15 =	simm.s32 $0x38;
	s6 =	simm.s32 $0x7640  }
0x18: {  	[tilespmem:s6], [sflag:$0x1] =	stream.indirect.gather [hbm4b:s3+s8], $0x20, s15, s8, $0xb8;
	[tilespmem:$0x13A00] =	vst v63  }
0x19: {  	s12 =	simm.s32 $0x70;
	s13 =	simm.s32 $0x7C80  }
0x1a: {  	[tilespmem:s13], [sflag:$0x1] =	stream.indirect.gather [hbm4b:s3+s8], $0x20, s12, s8, $0xb8;
	[tilespmem:$0x13A00] =	vst v63  }
0x1b: {  	s14 =	simm.s32 $0xA8;
	s15 =	simm.s32 $0x82C0  }
0x1c: {  	[tilespmem:s15], [sflag:$0x1] =	stream.indirect.gather [hbm4b:s3+s8], $0x20, s14, s8, $0xb8;
	[tilespmem:$0x13A00] =	vst v63  }
0x1d: {  	s12 =	simm.s32 $0xE0;
	s13 =	simm.s32 $0x8900  }
0x1e: {  	[tilespmem:s13], [sflag:$0x1] =	stream.indirect.gather [hbm4b:s3+s8], $0x20, s12, s8, $0xb8;
	[tilespmem:$0x13A00] =	vst v63  }
0x1f: {  	s14 =	simm.s32 $0x118;
	s15 =	simm.s32 $0x8F40  }
0x20: {  	[tilespmem:s15], [sflag:$0x1] =	stream.indirect.gather [hbm4b:s3+s8], $0x20, s14, s8, $0xb8;
	[tilespmem:$0x13A00] =	vst v63  }
0x21: {  	s12 =	simm.s32 $0x150;
	s13 =	simm.s32 $0x9580  }
0x22: {  	[tilespmem:s13], [sflag:$0x1] =	stream.indirect.gather [hbm4b:s3+s8], $0x20, s12, s8, $0xb8;
	[tilespmem:$0x13A00] =	vst v63  }
0x23: {  	s14 =	simm.s32 $0x188;
	s15 =	simm.s32 $0x9BC0  }
0x24: {  	[tilespmem:s15], [sflag:$0x1] =	stream.indirect.gather [hbm4b:s3+s8], $0x20, s14, s8, $0xb8;
	[tilespmem:$0x13A00] =	vst v63  }
0x25: {  	s12 =	simm.s32 $0x1C0;
	s13 =	simm.s32 $0xA200  }
0x26: {  	[tilespmem:s13], [sflag:$0x1] =	stream.indirect.gather [hbm4b:s3+s8], $0x20, s12, s8, $0xb8;
	[tilespmem:$0x13A00] =	vst v63  }
0x27: {  	s14 =	simm.s32 $0x1F8;
	s15 =	simm.s32 $0xA840  }
0x28: {  	[tilespmem:s15], [sflag:$0x1] =	stream.indirect.gather [hbm4b:s3+s8], $0x20, s14, s8, $0xb8;
	[tilespmem:$0x13A00] =	vst v63  }
0x29: {  	s12 =	simm.s32 $0x230;
	s13 =	simm.s32 $0xAE80  }
0x2a: {  	[tilespmem:s13], [sflag:$0x1] =	stream.indirect.gather [hbm4b:s3+s8], $0x20, s12, s8, $0xb8;
	[tilespmem:$0x13A00] =	vst v63  }
0x2b: {  	s14 =	simm.s32 $0x268;
	s15 =	simm.s32 $0xB4C0  }
0x2c: {  	[tilespmem:s15], [sflag:$0x1] =	stream.indirect.gather [hbm4b:s3+s8], $0x20, s14, s8, $0xb8;
	[tilespmem:$0x13A00] =	vst v63  }
0x2d: {  	s12 =	simm.s32 $0x2A0;
	s13 =	simm.s32 $0xBB00  }
0x2e: {  	[tilespmem:s13], [sflag:$0x1] =	stream.indirect.gather [hbm4b:s3+s8], $0x20, s12, s8, $0xb8;
	[tilespmem:$0x13A00] =	vst v63  }
0x2f: {  	s14 =	simm.s32 $0x2D8;
	s15 =	simm.s32 $0xC140  }
0x30: {  	[tilespmem:s15], [sflag:$0x1] =	stream.indirect.gather [hbm4b:s3+s8], $0x20, s14, s8, $0xb8;
	[tilespmem:$0x13A00] =	vst v63  }
0x31: {  	s12 =	simm.s32 $0x310;
	s13 =	simm.s32 $0xC780  }
0x32: {  	[tilespmem:s13], [sflag:$0x1] =	stream.indirect.gather [hbm4b:s3+s8], $0x20, s12, s8, $0xb8;
	[tilespmem:$0x13A00] =	vst v63  }
0x33: {  	s14 =	simm.s32 $0x348;
	s15 =	simm.s32 $0xCDC0;
	s12 =	simm.s32 $0x0  }
0x34: {  	[tilespmem:s15], [sflag:$0x1] =	stream.indirect.gather [hbm4b:s3+s8], $0x20, s14, s8, $0xb8;
	[tilespmem:$0x13A00] =	vst v63  }
.LBB2_2:
0x35: {  	s13 =	sshllo.u32 s12, $0x1  }
0x36: {  	s14 =	smul.u32 $0xE00, s13;
	_ =	sdelay $0x1  }
0x37: {  	s14 =	sshra.s32 s14, $0x2  }
0x38: {  	[tilespmem:s16], [sflag:$0x2] =	stream.indirect.gather [hbm4b:s3+s8], $0x20, s14, s8, $0xb8;
	[tilespmem:$0x13A00] =	vst v63  }
0x39: {  	s15 =	sor.u32 $0x38, s14  }
0x3a: {  	[tilespmem:s17], [sflag:$0x2] =	stream.indirect.gather [hbm4b:s3+s8], $0x20, s15, s8, $0xb8;
	[tilespmem:$0x13A00] =	vst v63  }
0x3b: {  	s6 =	sor.u32 $0x70, s14  }
0x3c: {  	[tilespmem:s18], [sflag:$0x2] =	stream.indirect.gather [hbm4b:s3+s8], $0x20, s6, s8, $0xb8;
	[tilespmem:$0x13A00] =	vst v63  }
0x3d: {  	s4 =	sadd.s32 $0xA8, s14  }
0x3e: {  	[tilespmem:s19], [sflag:$0x2] =	stream.indirect.gather [hbm4b:s3+s8], $0x20, s4, s8, $0xb8;
	[tilespmem:$0x13A00] =	vst v63  }
0x3f: {  	s6 =	sadd.s32 $0xE0, s14  }
0x40: {  	[tilespmem:s20], [sflag:$0x2] =	stream.indirect.gather [hbm4b:s3+s8], $0x20, s6, s8, $0xb8;
	[tilespmem:$0x13A00] =	vst v63  }
0x41: {  	s4 =	sadd.s32 $0x118, s14  }
0x42: {  	[tilespmem:s21], [sflag:$0x2] =	stream.indirect.gather [hbm4b:s3+s8], $0x20, s4, s8, $0xb8;
	[tilespmem:$0x13A00] =	vst v63  }
0x43: {  	s6 =	sadd.s32 $0x150, s14  }
0x44: {  	[tilespmem:s22], [sflag:$0x2] =	stream.indirect.gather [hbm4b:s3+s8], $0x20, s6, s8, $0xb8;
	[tilespmem:$0x13A00] =	vst v63  }
0x45: {  	s4 =	sadd.s32 $0x188, s14  }
0x46: {  	[tilespmem:s23], [sflag:$0x2] =	stream.indirect.gather [hbm4b:s3+s8], $0x20, s4, s8, $0xb8;
	[tilespmem:$0x13A00] =	vst v63  }
0x47: {  	s6 =	sadd.s32 $0x1C0, s14  }
0x48: {  	[tilespmem:s24], [sflag:$0x2] =	stream.indirect.gather [hbm4b:s3+s8], $0x20, s6, s8, $0xb8;
	[tilespmem:$0x13A00] =	vst v63  }
0x49: {  	s4 =	sadd.s32 $0x1F8, s14  }
0x4a: {  	[tilespmem:s25], [sflag:$0x2] =	stream.indirect.gather [hbm4b:s3+s8], $0x20, s4, s8, $0xb8;
	[tilespmem:$0x13A00] =	vst v63  }
0x4b: {  	s6 =	sadd.s32 $0x230, s14  }
0x4c: {  	[tilespmem:s26], [sflag:$0x2] =	stream.indirect.gather [hbm4b:s3+s8], $0x20, s6, s8, $0xb8;
	[tilespmem:$0x13A00] =	vst v63  }
0x4d: {  	s4 =	sadd.s32 $0x268, s14  }
0x4e: {  	[tilespmem:s28], [sflag:$0x2] =	stream.indirect.gather [hbm4b:s3+s8], $0x20, s4, s8, $0xb8;
	[tilespmem:$0x13A00] =	vst v63  }
0x4f: {  	s6 =	sadd.s32 $0x2A0, s14  }
0x50: {  	[tilespmem:s29], [sflag:$0x2] =	stream.indirect.gather [hbm4b:s3+s8], $0x20, s6, s8, $0xb8;
	[tilespmem:$0x13A00] =	vst v63  }
0x51: {  	s4 =	sadd.s32 $0x2D8, s14  }
0x52: {  	[tilespmem:s30], [sflag:$0x2] =	stream.indirect.gather [hbm4b:s3+s8], $0x20, s4, s8, $0xb8;
	[tilespmem:$0x13A00] =	vst v63  }
0x53: {  	s6 =	sadd.s32 $0x310, s14  }
0x54: {  	[tilespmem:s31], [sflag:$0x2] =	stream.indirect.gather [hbm4b:s3+s8], $0x20, s6, s8, $0xb8;
	[tilespmem:$0x13A00] =	vst v63  }
0x55: {  	s14 =	sadd.s32 $0x348, s14  }
0x56: {  	[tilespmem:s1], [sflag:$0x2] =	stream.indirect.gather [hbm4b:s3+s8], $0x20, s14, s8, $0xb8;
	[tilespmem:$0x13A00] =	vst v63  }
0x57: {  	_ =	swait.ge [sflag:s0], $0x6400  }
0x58: {  	[sflag:s0] =	ssyncset.done $0x0  }
0x59: {  	s15 =	simm.s32 $0x7320;
	s14 =	simm.s32 $0x0;
	[sflag:s0] =	ssyncadd.s32 $0xFFFF9C00  }
.LBB2_3:
0x5a: {  	v0 =	vld [tilespmem:s15+$0xFFFFFCE0]  }
0x5b: {  	v1 =	vld [tilespmem:s15+$0xFFFFFD00]  }
0x5c: {  	v2 =	vld [tilespmem:s15+$0xFFFFFD20]  }
0x5d: {  	v3 =	vld [tilespmem:s15+$0xFFFFFD40]  }
0x5e: {  	v4 =	vld [tilespmem:s15+$0xFFFFFCF0]  }
0x5f: {  	v5 =	vld [tilespmem:s15+$0xFFFFFD10]  }
0x60: {  	v6 =	vld [tilespmem:s15+$0xFFFFFD30]  }
0x61: {  	v7 =	vld [tilespmem:s15+$0xFFFFFD50]  }
0x62: {  	v8 =	vld [tilespmem:s15+$0xFFFFFD60]  }
0x63: {  	v9 =	vld [tilespmem:s15+$0xFFFFFD70]  }
0x64: {  	v10 =	vld [tilespmem:s15+$0xFFFFFD80]  }
0x65: {  	v11 =	vld [tilespmem:s15+$0xFFFFFD90]  }
0x66: {  	v12 =	vld [tilespmem:s15+$0xFFFFFDA0]  }
0x67: {  	v13 =	vld [tilespmem:s15+$0xFFFFFDB0]  }
0x68: {  	v14 =	vld [tilespmem:s15+$0xFFFFFDC0]  }
0x69: {  	v15 =	vld [tilespmem:s15+$0xFFFFFDD0]  }
0x6a: {  	v16 =	vld [tilespmem:s15+$0xFFFFFDE0]  }
0x6b: {  	v17 =	vld [tilespmem:s15+$0xFFFFFDF0]  }
0x6c: {  	v18 =	vld [tilespmem:s15+$0xFFFFFE00]  }
0x6d: {  	v19 =	vld [tilespmem:s15+$0xFFFFFE10]  }
0x6e: {  	v20 =	vld [tilespmem:s15+$0xFFFFFE20]  }
0x6f: {  	v21 =	vld [tilespmem:s15+$0xFFFFFE30]  }
0x70: {  	v22 =	vld [tilespmem:s15+$0xFFFFFE40]  }
0x71: {  	v23 =	vld [tilespmem:s15+$0xFFFFFE50]  }
0x72: {  	v24 =	vld [tilespmem:s15+$0xFFFFFE60]  }
0x73: {  	v25 =	vld [tilespmem:s15+$0xFFFFFE70]  }
0x74: {  	v26 =	vld [tilespmem:s15+$0xFFFFFE80]  }
0x75: {  	v27 =	vld [tilespmem:s15+$0xFFFFFE90]  }
0x76: {  	v28 =	vld [tilespmem:s15+$0xFFFFFEA0]  }
0x77: {  	v29 =	vld [tilespmem:s15+$0xFFFFFEB0]  }
0x78: {  	v30 =	vld [tilespmem:s15+$0xFFFFFEC0]  }
0x79: {  	v31 =	vld [tilespmem:s15+$0xFFFFFED0]  }
0x7a: {  	v32 =	vld [tilespmem:s15+$0xFFFFFEE0]  }
0x7b: {  	v33 =	vld [tilespmem:s15+$0xFFFFFEF0]  }
0x7c: {  	v34 =	vld [tilespmem:s15+$0xFFFFFF00]  }
0x7d: {  	v35 =	vld [tilespmem:s15+$0xFFFFFF10]  }
0x7e: {  	v36 =	vld [tilespmem:s15+$0xFFFFFF20]  }
0x7f: {  	v37 =	vld [tilespmem:s15+$0xFFFFFF30]  }
0x80: {  	v38 =	vld [tilespmem:s15+$0xFFFFFF40]  }
0x81: {  	v39 =	vld [tilespmem:s15+$0xFFFFFF50]  }
0x82: {  	v40 =	vld [tilespmem:s15+$0xFFFFFF60]  }
0x83: {  	v41 =	vld [tilespmem:s15+$0xFFFFFF70]  }
0x84: {  	v42 =	vld [tilespmem:s15+$0xFFFFFF80]  }
0x85: {  	v43 =	vld [tilespmem:s15+$0xFFFFFF90]  }
0x86: {  	v44 =	vld [tilespmem:s15+$0xFFFFFFA0]  }
0x87: {  	v45 =	vld [tilespmem:s15+$0xFFFFFFB0]  }
0x88: {  	v46 =	vld [tilespmem:s15+$0xFFFFFFC0]  }
0x89: {  	v47 =	vld [tilespmem:s15+$0xFFFFFFD0]  }
0x8a: {  	v48 =	vld [tilespmem:s15+$0xFFFFFFE0]  }
0x8b: {  	v49 =	vld [tilespmem:s15+$0xFFFFFFF0]  }
0x8c: {  	v50 =	vld [tilespmem:s15+$0x0]  }
0x8d: {  	v51 =	vld [tilespmem:s15+$0x10]  }
0x8e: {  	v52 =	vld [tilespmem:s15+$0x20]  }
0x8f: {  	v53 =	vld [tilespmem:s15+$0x30]  }
0x90: {  	v54 =	vld [tilespmem:s15+$0x40]  }
0x91: {  	v55 =	vld [tilespmem:s15+$0x50]  }
0x92: {  	v56 =	vld [tilespmem:s15+$0x60]  }
0x93: {  	v57 =	vld [tilespmem:s15+$0x70]  }
0x94: {  	v58 =	vld [tilespmem:s15+$0x80]  }
0x95: {  	v59 =	vld [tilespmem:s15+$0x150];
	v0 =	vadd.f32 v8, v0;
	v4 =	vadd.f32 v9, v4  }
0x96: {  	v60 =	vld [tilespmem:s15+$0x160];
	v1 =	vadd.f32 v10, v1;
	v5 =	vadd.f32 v11, v5  }
0x97: {  	v61 =	vld [tilespmem:s15+$0x170];
	v2 =	vadd.f32 v12, v2;
	v6 =	vadd.f32 v13, v6  }
0x98: {  	v62 =	vld [tilespmem:s15+$0x180];
	v3 =	vadd.f32 v14, v3;
	v7 =	vadd.f32 v15, v7  }
0x99: {  	v63 =	vld [tilespmem:s15+$0x190];
	v0 =	vadd.f32 v16, v0;
	v4 =	vadd.f32 v17, v4  }
0x9a: {  	v8 =	vld [tilespmem:s15+$0x90];
	v1 =	vadd.f32 v18, v1;
	v5 =	vadd.f32 v19, v5  }
0x9b: {  	v9 =	vld [tilespmem:s15+$0xA0];
	v2 =	vadd.f32 v20, v2;
	v6 =	vadd.f32 v21, v6  }
0x9c: {  	v10 =	vld [tilespmem:s15+$0xB0];
	v3 =	vadd.f32 v22, v3;
	v7 =	vadd.f32 v23, v7  }
0x9d: {  	v11 =	vld [tilespmem:s15+$0xC0];
	v0 =	vadd.f32 v24, v0;
	v4 =	vadd.f32 v25, v4  }
0x9e: {  	v12 =	vld [tilespmem:s15+$0xD0];
	v1 =	vadd.f32 v26, v1;
	v5 =	vadd.f32 v27, v5  }
0x9f: {  	v13 =	vld [tilespmem:s15+$0xE0];
	v2 =	vadd.f32 v28, v2;
	v6 =	vadd.f32 v29, v6  }
0xa0: {  	v14 =	vld [tilespmem:s15+$0xF0];
	v3 =	vadd.f32 v30, v3;
	v7 =	vadd.f32 v31, v7  }
0xa1: {  	v15 =	vld [tilespmem:s15+$0x100];
	v0 =	vadd.f32 v32, v0;
	v4 =	vadd.f32 v33, v4  }
0xa2: {  	v16 =	vld [tilespmem:s15+$0x110];
	v1 =	vadd.f32 v34, v1;
	v5 =	vadd.f32 v35, v5  }
0xa3: {  	v17 =	vld [tilespmem:s15+$0x120];
	v2 =	vadd.f32 v36, v2;
	v6 =	vadd.f32 v37, v6  }
0xa4: {  	v18 =	vld [tilespmem:s15+$0x130];
	v3 =	vadd.f32 v38, v3;
	v7 =	vadd.f32 v39, v7  }
0xa5: {  	v19 =	vld [tilespmem:s15+$0x140];
	v0 =	vadd.f32 v40, v0;
	v4 =	vadd.f32 v41, v4  }
0xa6: {  	v36 =	vld [tilespmem:s15+$0x1A0];
	v1 =	vadd.f32 v42, v1;
	v5 =	vadd.f32 v43, v5  }
0xa7: {  	v37 =	vld [tilespmem:s15+$0x1B0];
	v2 =	vadd.f32 v44, v2;
	v6 =	vadd.f32 v45, v6  }
0xa8: {  	v38 =	vld [tilespmem:s15+$0x1C0];
	v3 =	vadd.f32 v46, v3;
	v7 =	vadd.f32 v47, v7  }
0xa9: {  	v39 =	vld [tilespmem:s15+$0x1D0];
	v0 =	vadd.f32 v48, v0;
	v4 =	vadd.f32 v49, v4  }
0xaa: {  	v40 =	vld [tilespmem:s15+$0x1E0];
	v1 =	vadd.f32 v50, v1;
	v5 =	vadd.f32 v51, v5  }
0xab: {  	v41 =	vld [tilespmem:s15+$0x1F0];
	v2 =	vadd.f32 v52, v2;
	v6 =	vadd.f32 v53, v6  }
0xac: {  	v42 =	vld [tilespmem:s15+$0x200];
	v3 =	vadd.f32 v54, v3;
	v7 =	vadd.f32 v55, v7  }
0xad: {  	v43 =	vld [tilespmem:s15+$0x210];
	v0 =	vadd.f32 v56, v0;
	v4 =	vadd.f32 v57, v4  }
0xae: {  	v44 =	vld [tilespmem:s15+$0x220];
	v1 =	vadd.f32 v58, v1;
	v5 =	vadd.f32 v8, v5  }
0xaf: {  	v45 =	vld [tilespmem:s15+$0x230];
	v2 =	vadd.f32 v9, v2;
	v6 =	vadd.f32 v10, v6  }
0xb0: {  	v46 =	vld [tilespmem:s15+$0x240];
	v3 =	vadd.f32 v11, v3;
	v7 =	vadd.f32 v12, v7  }
0xb1: {  	v47 =	vld [tilespmem:s15+$0x250];
	v0 =	vadd.f32 v13, v0;
	v4 =	vadd.f32 v14, v4  }
0xb2: {  	v48 =	vld [tilespmem:s15+$0x260];
	v1 =	vadd.f32 v15, v1;
	v5 =	vadd.f32 v16, v5  }
0xb3: {  	v49 =	vld [tilespmem:s15+$0x270];
	v2 =	vadd.f32 v17, v2;
	v6 =	vadd.f32 v18, v6  }
0xb4: {  	v50 =	vld [tilespmem:s15+$0x280];
	v3 =	vadd.f32 v19, v3;
	v7 =	vadd.f32 v59, v7  }
0xb5: {  	v51 =	vld [tilespmem:s15+$0x290];
	v0 =	vadd.f32 v60, v0;
	v4 =	vadd.f32 v61, v4  }
0xb6: {  	v52 =	vld [tilespmem:s15+$0x2A0];
	v1 =	vadd.f32 v62, v1;
	v5 =	vadd.f32 v63, v5  }
0xb7: {  	v53 =	vld [tilespmem:s15+$0x2B0];
	v2 =	vadd.f32 v36, v2;
	v6 =	vadd.f32 v37, v6  }
0xb8: {  	v54 =	vld [tilespmem:s15+$0x2C0];
	v3 =	vadd.f32 v38, v3;
	v7 =	vadd.f32 v39, v7  }
0xb9: {  	v55 =	vld [tilespmem:s15+$0x2D0];
	v0 =	vadd.f32 v40, v0;
	v4 =	vadd.f32 v41, v4  }
0xba: {  	v56 =	vld [tilespmem:s15+$0x2E0];
	v1 =	vadd.f32 v42, v1;
	v5 =	vadd.f32 v43, v5  }
0xbb: {  	v57 =	vld [tilespmem:s15+$0x2F0];
	v2 =	vadd.f32 v44, v2;
	v6 =	vadd.f32 v45, v6  }
0xbc: {  	v58 =	vld [tilespmem:s15+$0x300];
	v3 =	vadd.f32 v46, v3;
	v7 =	vadd.f32 v47, v7  }
0xbd: {  	v59 =	vld [tilespmem:s15+$0x310];
	v0 =	vadd.f32 v48, v0;
	v4 =	vadd.f32 v49, v4  }
0xbe: {  	v1 =	vadd.f32 v50, v1;
	v5 =	vadd.f32 v51, v5  }
0xbf: {  	v2 =	vadd.f32 v52, v2;
	v6 =	vadd.f32 v53, v6  }
0xc0: {  	v3 =	vadd.f32 v54, v3;
	v7 =	vadd.f32 v55, v7  }
0xc1: {  	v0 =	vadd.f32 v56, v0;
	v1 =	vadd.f32 v58, v1  }
0xc2: {  	v4 =	vadd.f32 v57, v4;
	v5 =	vadd.f32 v59, v5  }
0xc3: {  	v60 =	vadd.f32 v3, v2;
	v0 =	vadd.f32 v1, v0  }
0xc4: {  	v62 =	vadd.f32 v7, v6;
	v61 =	vadd.f32 v5, v4  }
0xc5: {  	p0 =	sne.s32 s14, $0x780;
	v0 =	vadd.f32 v0, v60  }
.Ltmp0:
0xc6: {  	v63 =	vadd.f32 v61, v62;
	(pc) =	sbr.rel @p0 .LBB2_3-.Ltmp0, $4  }
0xc7: {  	v0 =	vmul.f32 $1.999999960e-02, v0  }
0xc8: {  	s4 =	sshra.s32 s14, $0x2;
	v1 =	vmul.f32 $1.999999960e-02, v63  }
0xc9: {  	[tilespmem:s4+$0x13800] =	vst v0  }
0xca: {  	s14 =	sadd.s32 $0x80, s14;
	s15 =	sadd.s32 $0x640, s15;
	[tilespmem:s4+$0x13810] =	vst v1  }
0xcb: {  	s4 =	sshll.u32 s12, $0x7  }
0xcc: {  	p0 =	seq.s32 s12, $0xF;
	s4 =	sadd.s32 s4, s5  }
0xcd: {  	[hbm4b:s4+s2] =	stream.linear.scatter [tilespmem:s9], [sflag:$0x3], $0x200, $0x38;
	[tilespmem:$0x13A00] =	vst v63  }
0xce: {  	s4 =	smul.u32 @!p0 $0x1C00, s12  }
0xcf: {  	_ =	swait.ge [sflag:s7], $0x200  }
0xd0: {  	s15 =	simm.s32 @!p0 $0x32;
	[sflag:s7] =	ssyncset.done $0x0;
	s4 =	sshra.s32 @!p0 s4, $0x2  }
0xd1: {  	s6 =	simm.s32 @!p0 $0x7000;
	[sflag:s7] =	ssyncadd.s32 $0xFFFFFE00;
	s14 =	sadd.s32 @!p0 $0x700, s4  }
0xd2: {  	[tilespmem:s6], [sflag:$0x1] =	stream.indirect.gather @!p0 [hbm4b:s3+s15], $0x20, s14, s15, $0xb8;
	[tilespmem:$0x13A00] =	vst v63  }
0xd3: {  	s6 =	sadd.s32 @!p0 $0x738, s4;
	s14 =	simm.s32 @!p0 $0x7640  }
0xd4: {  	[tilespmem:s14], [sflag:$0x1] =	stream.indirect.gather @!p0 [hbm4b:s3+s15], $0x20, s6, s15, $0xb8;
	[tilespmem:$0x13A00] =	vst v63  }
0xd5: {  	s6 =	sadd.s32 @!p0 $0x770, s4;
	s14 =	simm.s32 @!p0 $0x7C80  }
0xd6: {  	[tilespmem:s14], [sflag:$0x1] =	stream.indirect.gather @!p0 [hbm4b:s3+s15], $0x20, s6, s15, $0xb8;
	[tilespmem:$0x13A00] =	vst v63  }
0xd7: {  	s6 =	sadd.s32 @!p0 $0x7A8, s4;
	s14 =	simm.s32 @!p0 $0x82C0  }
0xd8: {  	[tilespmem:s14], [sflag:$0x1] =	stream.indirect.gather @!p0 [hbm4b:s3+s15], $0x20, s6, s15, $0xb8;
	[tilespmem:$0x13A00] =	vst v63  }
0xd9: {  	s6 =	sadd.s32 @!p0 $0x7E0, s4;
	s14 =	simm.s32 @!p0 $0x8900  }
0xda: {  	[tilespmem:s14], [sflag:$0x1] =	stream.indirect.gather @!p0 [hbm4b:s3+s15], $0x20, s6, s15, $0xb8;
	[tilespmem:$0x13A00] =	vst v63  }
0xdb: {  	s6 =	sadd.s32 @!p0 $0x818, s4;
	s14 =	simm.s32 @!p0 $0x8F40  }
0xdc: {  	[tilespmem:s14], [sflag:$0x1] =	stream.indirect.gather @!p0 [hbm4b:s3+s15], $0x20, s6, s15, $0xb8;
	[tilespmem:$0x13A00] =	vst v63  }
0xdd: {  	s6 =	sadd.s32 @!p0 $0x850, s4;
	s14 =	simm.s32 @!p0 $0x9580  }
0xde: {  	[tilespmem:s14], [sflag:$0x1] =	stream.indirect.gather @!p0 [hbm4b:s3+s15], $0x20, s6, s15, $0xb8;
	[tilespmem:$0x13A00] =	vst v63  }
0xdf: {  	s6 =	sadd.s32 @!p0 $0x888, s4;
	s14 =	simm.s32 @!p0 $0x9BC0  }
0xe0: {  	[tilespmem:s14], [sflag:$0x1] =	stream.indirect.gather @!p0 [hbm4b:s3+s15], $0x20, s6, s15, $0xb8;
	[tilespmem:$0x13A00] =	vst v63  }
0xe1: {  	s6 =	sadd.s32 @!p0 $0x8C0, s4;
	s14 =	simm.s32 @!p0 $0xA200  }
0xe2: {  	[tilespmem:s14], [sflag:$0x1] =	stream.indirect.gather @!p0 [hbm4b:s3+s15], $0x20, s6, s15, $0xb8;
	[tilespmem:$0x13A00] =	vst v63  }
0xe3: {  	s6 =	sadd.s32 @!p0 $0x8F8, s4;
	s14 =	simm.s32 @!p0 $0xA840  }
0xe4: {  	[tilespmem:s14], [sflag:$0x1] =	stream.indirect.gather @!p0 [hbm4b:s3+s15], $0x20, s6, s15, $0xb8;
	[tilespmem:$0x13A00] =	vst v63  }
0xe5: {  	s6 =	sadd.s32 @!p0 $0x930, s4;
	s14 =	simm.s32 @!p0 $0xAE80  }
0xe6: {  	[tilespmem:s14], [sflag:$0x1] =	stream.indirect.gather @!p0 [hbm4b:s3+s15], $0x20, s6, s15, $0xb8;
	[tilespmem:$0x13A00] =	vst v63  }
0xe7: {  	s6 =	sadd.s32 @!p0 $0x968, s4;
	s14 =	simm.s32 @!p0 $0xB4C0  }
0xe8: {  	[tilespmem:s14], [sflag:$0x1] =	stream.indirect.gather @!p0 [hbm4b:s3+s15], $0x20, s6, s15, $0xb8;
	[tilespmem:$0x13A00] =	vst v63  }
0xe9: {  	s6 =	sadd.s32 @!p0 $0x9A0, s4;
	s14 =	simm.s32 @!p0 $0xBB00  }
0xea: {  	[tilespmem:s14], [sflag:$0x1] =	stream.indirect.gather @!p0 [hbm4b:s3+s15], $0x20, s6, s15, $0xb8;
	[tilespmem:$0x13A00] =	vst v63  }
0xeb: {  	s6 =	sadd.s32 @!p0 $0x9D8, s4;
	s14 =	simm.s32 @!p0 $0xC140  }
0xec: {  	[tilespmem:s14], [sflag:$0x1] =	stream.indirect.gather @!p0 [hbm4b:s3+s15], $0x20, s6, s15, $0xb8;
	[tilespmem:$0x13A00] =	vst v63  }
0xed: {  	s6 =	sadd.s32 @!p0 $0xA10, s4;
	s14 =	simm.s32 @!p0 $0xC780  }
0xee: {  	[tilespmem:s14], [sflag:$0x1] =	stream.indirect.gather @!p0 [hbm4b:s3+s15], $0x20, s6, s15, $0xb8;
	[tilespmem:$0x13A00] =	vst v63  }
0xef: {  	s4 =	sadd.s32 @!p0 $0xA48, s4;
	s6 =	simm.s32 @!p0 $0xCDC0  }
0xf0: {  	[tilespmem:s6], [sflag:$0x1] =	stream.indirect.gather @!p0 [hbm4b:s3+s15], $0x20, s4, s15, $0xb8;
	[tilespmem:$0x13A00] =	vst v63  }
0xf1: {  	_ =	swait.ge [sflag:s10], $0x6400  }
0xf2: {  	[sflag:s10] =	ssyncset.done $0x0  }
0xf3: {  	s14 =	simm.s32 $0x0;
	s15 =	simm.s32 $0xD720;
	[sflag:s10] =	ssyncadd.s32 $0xFFFF9C00  }
.LBB2_5:
0xf4: {  	v0 =	vld [tilespmem:s15+$0xFFFFFCE0]  }
0xf5: {  	v1 =	vld [tilespmem:s15+$0xFFFFFD00]  }
0xf6: {  	v2 =	vld [tilespmem:s15+$0xFFFFFD20]  }
0xf7: {  	v3 =	vld [tilespmem:s15+$0xFFFFFD40]  }
0xf8: {  	v4 =	vld [tilespmem:s15+$0xFFFFFCF0]  }
0xf9: {  	v5 =	vld [tilespmem:s15+$0xFFFFFD10]  }
0xfa: {  	v6 =	vld [tilespmem:s15+$0xFFFFFD30]  }
0xfb: {  	v7 =	vld [tilespmem:s15+$0xFFFFFD50]  }
0xfc: {  	v8 =	vld [tilespmem:s15+$0xFFFFFD60]  }
0xfd: {  	v9 =	vld [tilespmem:s15+$0xFFFFFD70]  }
0xfe: {  	v10 =	vld [tilespmem:s15+$0xFFFFFD80]  }
0xff: {  	v11 =	vld [tilespmem:s15+$0xFFFFFD90]  }
0x100: {  	v12 =	vld [tilespmem:s15+$0xFFFFFDA0]  }
0x101: {  	v13 =	vld [tilespmem:s15+$0xFFFFFDB0]  }
0x102: {  	v14 =	vld [tilespmem:s15+$0xFFFFFDC0]  }
0x103: {  	v15 =	vld [tilespmem:s15+$0xFFFFFDD0]  }
0x104: {  	v16 =	vld [tilespmem:s15+$0xFFFFFDE0]  }
0x105: {  	v17 =	vld [tilespmem:s15+$0xFFFFFDF0]  }
0x106: {  	v18 =	vld [tilespmem:s15+$0xFFFFFE00]  }
0x107: {  	v19 =	vld [tilespmem:s15+$0xFFFFFE10]  }
0x108: {  	v20 =	vld [tilespmem:s15+$0xFFFFFE20]  }
0x109: {  	v21 =	vld [tilespmem:s15+$0xFFFFFE30]  }
0x10a: {  	v22 =	vld [tilespmem:s15+$0xFFFFFE40]  }
0x10b: {  	v23 =	vld [tilespmem:s15+$0xFFFFFE50]  }
0x10c: {  	v24 =	vld [tilespmem:s15+$0xFFFFFE60]  }
0x10d: {  	v25 =	vld [tilespmem:s15+$0xFFFFFE70]  }
0x10e: {  	v26 =	vld [tilespmem:s15+$0xFFFFFE80]  }
0x10f: {  	v27 =	vld [tilespmem:s15+$0xFFFFFE90]  }
0x110: {  	v28 =	vld [tilespmem:s15+$0xFFFFFEA0]  }
0x111: {  	v29 =	vld [tilespmem:s15+$0xFFFFFEB0]  }
0x112: {  	v30 =	vld [tilespmem:s15+$0xFFFFFEC0]  }
0x113: {  	v31 =	vld [tilespmem:s15+$0xFFFFFED0]  }
0x114: {  	v32 =	vld [tilespmem:s15+$0xFFFFFEE0]  }
0x115: {  	v33 =	vld [tilespmem:s15+$0xFFFFFEF0]  }
0x116: {  	v34 =	vld [tilespmem:s15+$0xFFFFFF00]  }
0x117: {  	v35 =	vld [tilespmem:s15+$0xFFFFFF10]  }
0x118: {  	v36 =	vld [tilespmem:s15+$0xFFFFFF20]  }
0x119: {  	v37 =	vld [tilespmem:s15+$0xFFFFFF30]  }
0x11a: {  	v38 =	vld [tilespmem:s15+$0xFFFFFF40]  }
0x11b: {  	v39 =	vld [tilespmem:s15+$0xFFFFFF50]  }
0x11c: {  	v40 =	vld [tilespmem:s15+$0xFFFFFF60]  }
0x11d: {  	v41 =	vld [tilespmem:s15+$0xFFFFFF70]  }
0x11e: {  	v42 =	vld [tilespmem:s15+$0xFFFFFF80]  }
0x11f: {  	v43 =	vld [tilespmem:s15+$0xFFFFFF90]  }
0x120: {  	v44 =	vld [tilespmem:s15+$0xFFFFFFA0]  }
0x121: {  	v45 =	vld [tilespmem:s15+$0xFFFFFFB0]  }
0x122: {  	v46 =	vld [tilespmem:s15+$0xFFFFFFC0]  }
0x123: {  	v47 =	vld [tilespmem:s15+$0xFFFFFFD0]  }
0x124: {  	v48 =	vld [tilespmem:s15+$0xFFFFFFE0]  }
0x125: {  	v49 =	vld [tilespmem:s15+$0xFFFFFFF0]  }
0x126: {  	v50 =	vld [tilespmem:s15+$0x0]  }
0x127: {  	v51 =	vld [tilespmem:s15+$0x10]  }
0x128: {  	v52 =	vld [tilespmem:s15+$0x20]  }
0x129: {  	v53 =	vld [tilespmem:s15+$0x30]  }
0x12a: {  	v54 =	vld [tilespmem:s15+$0x40]  }
0x12b: {  	v55 =	vld [tilespmem:s15+$0x50]  }
0x12c: {  	v56 =	vld [tilespmem:s15+$0x60]  }
0x12d: {  	v57 =	vld [tilespmem:s15+$0x70]  }
0x12e: {  	v58 =	vld [tilespmem:s15+$0x80]  }
0x12f: {  	v59 =	vld [tilespmem:s15+$0x150];
	v0 =	vadd.f32 v8, v0;
	v4 =	vadd.f32 v9, v4  }
0x130: {  	v60 =	vld [tilespmem:s15+$0x160];
	v1 =	vadd.f32 v10, v1;
	v5 =	vadd.f32 v11, v5  }
0x131: {  	v61 =	vld [tilespmem:s15+$0x170];
	v2 =	vadd.f32 v12, v2;
	v6 =	vadd.f32 v13, v6  }
0x132: {  	v62 =	vld [tilespmem:s15+$0x180];
	v3 =	vadd.f32 v14, v3;
	v7 =	vadd.f32 v15, v7  }
0x133: {  	v63 =	vld [tilespmem:s15+$0x190];
	v0 =	vadd.f32 v16, v0;
	v4 =	vadd.f32 v17, v4  }
0x134: {  	v8 =	vld [tilespmem:s15+$0x90];
	v1 =	vadd.f32 v18, v1;
	v5 =	vadd.f32 v19, v5  }
0x135: {  	v9 =	vld [tilespmem:s15+$0xA0];
	v2 =	vadd.f32 v20, v2;
	v6 =	vadd.f32 v21, v6  }
0x136: {  	v10 =	vld [tilespmem:s15+$0xB0];
	v3 =	vadd.f32 v22, v3;
	v7 =	vadd.f32 v23, v7  }
0x137: {  	v11 =	vld [tilespmem:s15+$0xC0];
	v0 =	vadd.f32 v24, v0;
	v4 =	vadd.f32 v25, v4  }
0x138: {  	v12 =	vld [tilespmem:s15+$0xD0];
	v1 =	vadd.f32 v26, v1;
	v5 =	vadd.f32 v27, v5  }
0x139: {  	v13 =	vld [tilespmem:s15+$0xE0];
	v2 =	vadd.f32 v28, v2;
	v6 =	vadd.f32 v29, v6  }
0x13a: {  	v14 =	vld [tilespmem:s15+$0xF0];
	v3 =	vadd.f32 v30, v3;
	v7 =	vadd.f32 v31, v7  }
0x13b: {  	v15 =	vld [tilespmem:s15+$0x100];
	v0 =	vadd.f32 v32, v0;
	v4 =	vadd.f32 v33, v4  }
0x13c: {  	v16 =	vld [tilespmem:s15+$0x110];
	v1 =	vadd.f32 v34, v1;
	v5 =	vadd.f32 v35, v5  }
0x13d: {  	v17 =	vld [tilespmem:s15+$0x120];
	v2 =	vadd.f32 v36, v2;
	v6 =	vadd.f32 v37, v6  }
0x13e: {  	v18 =	vld [tilespmem:s15+$0x130];
	v3 =	vadd.f32 v38, v3;
	v7 =	vadd.f32 v39, v7  }
0x13f: {  	v19 =	vld [tilespmem:s15+$0x140];
	v0 =	vadd.f32 v40, v0;
	v4 =	vadd.f32 v41, v4  }
0x140: {  	v36 =	vld [tilespmem:s15+$0x1A0];
	v1 =	vadd.f32 v42, v1;
	v5 =	vadd.f32 v43, v5  }
0x141: {  	v37 =	vld [tilespmem:s15+$0x1B0];
	v2 =	vadd.f32 v44, v2;
	v6 =	vadd.f32 v45, v6  }
0x142: {  	v38 =	vld [tilespmem:s15+$0x1C0];
	v3 =	vadd.f32 v46, v3;
	v7 =	vadd.f32 v47, v7  }
0x143: {  	v39 =	vld [tilespmem:s15+$0x1D0];
	v0 =	vadd.f32 v48, v0;
	v4 =	vadd.f32 v49, v4  }
0x144: {  	v40 =	vld [tilespmem:s15+$0x1E0];
	v1 =	vadd.f32 v50, v1;
	v5 =	vadd.f32 v51, v5  }
0x145: {  	v41 =	vld [tilespmem:s15+$0x1F0];
	v2 =	vadd.f32 v52, v2;
	v6 =	vadd.f32 v53, v6  }
0x146: {  	v42 =	vld [tilespmem:s15+$0x200];
	v3 =	vadd.f32 v54, v3;
	v7 =	vadd.f32 v55, v7  }
0x147: {  	v43 =	vld [tilespmem:s15+$0x210];
	v0 =	vadd.f32 v56, v0;
	v4 =	vadd.f32 v57, v4  }
0x148: {  	v44 =	vld [tilespmem:s15+$0x220];
	v1 =	vadd.f32 v58, v1;
	v5 =	vadd.f32 v8, v5  }
0x149: {  	v45 =	vld [tilespmem:s15+$0x230];
	v2 =	vadd.f32 v9, v2;
	v6 =	vadd.f32 v10, v6  }
0x14a: {  	v46 =	vld [tilespmem:s15+$0x240];
	v3 =	vadd.f32 v11, v3;
	v7 =	vadd.f32 v12, v7  }
0x14b: {  	v47 =	vld [tilespmem:s15+$0x250];
	v0 =	vadd.f32 v13, v0;
	v4 =	vadd.f32 v14, v4  }
0x14c: {  	v48 =	vld [tilespmem:s15+$0x260];
	v1 =	vadd.f32 v15, v1;
	v5 =	vadd.f32 v16, v5  }
0x14d: {  	v49 =	vld [tilespmem:s15+$0x270];
	v2 =	vadd.f32 v17, v2;
	v6 =	vadd.f32 v18, v6  }
0x14e: {  	v50 =	vld [tilespmem:s15+$0x280];
	v3 =	vadd.f32 v19, v3;
	v7 =	vadd.f32 v59, v7  }
0x14f: {  	v51 =	vld [tilespmem:s15+$0x290];
	v0 =	vadd.f32 v60, v0;
	v4 =	vadd.f32 v61, v4  }
0x150: {  	v52 =	vld [tilespmem:s15+$0x2A0];
	v1 =	vadd.f32 v62, v1;
	v5 =	vadd.f32 v63, v5  }
0x151: {  	v53 =	vld [tilespmem:s15+$0x2B0];
	v2 =	vadd.f32 v36, v2;
	v6 =	vadd.f32 v37, v6  }
0x152: {  	v54 =	vld [tilespmem:s15+$0x2C0];
	v3 =	vadd.f32 v38, v3;
	v7 =	vadd.f32 v39, v7  }
0x153: {  	v55 =	vld [tilespmem:s15+$0x2D0];
	v0 =	vadd.f32 v40, v0;
	v4 =	vadd.f32 v41, v4  }
0x154: {  	v56 =	vld [tilespmem:s15+$0x2E0];
	v1 =	vadd.f32 v42, v1;
	v5 =	vadd.f32 v43, v5  }
0x155: {  	v57 =	vld [tilespmem:s15+$0x2F0];
	v2 =	vadd.f32 v44, v2;
	v6 =	vadd.f32 v45, v6  }
0x156: {  	v58 =	vld [tilespmem:s15+$0x300];
	v3 =	vadd.f32 v46, v3;
	v7 =	vadd.f32 v47, v7  }
0x157: {  	v59 =	vld [tilespmem:s15+$0x310];
	v0 =	vadd.f32 v48, v0;
	v4 =	vadd.f32 v49, v4  }
0x158: {  	v1 =	vadd.f32 v50, v1;
	v5 =	vadd.f32 v51, v5  }
0x159: {  	v2 =	vadd.f32 v52, v2;
	v6 =	vadd.f32 v53, v6  }
0x15a: {  	v3 =	vadd.f32 v54, v3;
	v7 =	vadd.f32 v55, v7  }
0x15b: {  	v0 =	vadd.f32 v56, v0;
	v1 =	vadd.f32 v58, v1  }
0x15c: {  	v4 =	vadd.f32 v57, v4;
	v5 =	vadd.f32 v59, v5  }
0x15d: {  	v60 =	vadd.f32 v3, v2;
	v0 =	vadd.f32 v1, v0  }
0x15e: {  	v62 =	vadd.f32 v7, v6;
	v61 =	vadd.f32 v5, v4  }
0x15f: {  	p0 =	sne.s32 s14, $0x780;
	v0 =	vadd.f32 v0, v60  }
.Ltmp1:
0x160: {  	v63 =	vadd.f32 v61, v62;
	(pc) =	sbr.rel @p0 .LBB2_5-.Ltmp1, $4  }
0x161: {  	v0 =	vmul.f32 $1.999999960e-02, v0  }
0x162: {  	s4 =	sshra.s32 s14, $0x2;
	v1 =	vmul.f32 $1.999999960e-02, v63  }
0x163: {  	[tilespmem:s4+$0x13800] =	vst v0  }
0x164: {  	s14 =	sadd.s32 $0x80, s14;
	s15 =	sadd.s32 $0x640, s15;
	[tilespmem:s4+$0x13810] =	vst v1  }
0x165: {  	s12 =	sadd.s32 $0x1, s12  }
0x166: {  	s4 =	sshll.u32 s13, $0x6;
	p0 =	sne.s32 s12, $0x10  }
.Ltmp2:
0x167: {  	s4 =	sadd.s32 s4, s5;
	(pc) =	sbr.rel @p0 .LBB2_2-.Ltmp2, $4  }
0x168: {  	[hbm4b:s4+s2] =	stream.linear.scatter [tilespmem:s9], [sflag:$0x3], $0x200, $0x38;
	[tilespmem:$0x13A00] =	vst v63  }
0x169: {  	_ =	swait.ge [sflag:s7], $0x200  }
0x16a: {  	[sflag:s7] =	ssyncset.done $0x0  }
0x16b: {  	[sflag:s7] =	ssyncadd.s32 $0xFFFFFE00  }
0x16c: {  	s11 =	sadd.s32 $0x1, s11;
	s4 =	rddreg [dreg:$0x4]  }
0x16d: {  	p0 =	sne.s32 s11, s4  }
.Ltmp3:
0x16e: {  	_ = 	snop;
	(pc) =	sbr.rel @p0 .LBB2_1-.Ltmp3, $1  }
0x16f: {  	_ =	sdelay $0x3  }
0x170: {  	_ =	sfence.sel $0x180000  }
0x171: {  	[bflag:$0x0] =	sbarrier.arrive $0xFFFF  }
0x172: {  	_ =	strace $0x90000047  }
0x173: {  	s0 =	stileid.u32;
	[bflag:$0x2] =	sbarrier.arrive $0xFFFF  }
0x174: {  	p0 =	sne.s32 s0, $0x0;
	s0 =	rddreg [dreg:$0x2]  }
0x175: {  	s0 =	sadd.s32 @!p0 $0x100000, s0  }
0x176: {  	[sflag:s0] =	ssyncadd.tile.s32 @!p0 $0x1;
	_ =	shalt  }
.Lfunc_end2:
_tile_overlayer_lowered:
.L_overlay_start_2:
0x177: {  	(tag) =	ssettag $0x2  }
0x178: {  	s0 =	rddreg [dreg:$0x0];
	s2 =	stileid.u32  }
0x179: {  	s1 =	rddreg [dreg:$0x1];
	p0 =	sne.s32 s2, $0x0  }
0x17a: {  	s3 =	rddreg [dreg:$0x2];
	[bflag:$0x3] =	sbarrier.arrive $0xFFFF;
	s2 =	simm.s32 @!p0 $0x1C03  }
0x17b: {  	[timem:s3], [sflag:s2] =	dma.local @!p0 [hbm:s0], s1  }
0x17c: {  	s0 =	simm.s32 @!p0 $0x3  }
0x17d: {  	_ =	swait.ge @!p0 [sflag:s0], s1  }
0x17e: {  	s1 =	ssub.s32 @!p0 $0x0, s1;
	[sflag:s0] =	ssyncset.done @!p0 $0x0  }
0x17f: {  	[sflag:s0] =	ssyncadd.s32 @!p0 s1  }
0x180: {  	[bflag:$0x3] =	sbarrier.arrive $0xFFFF  }
0x181: {  	_ =	shalt  }

</sc_bundles>
